<compile_context>
chip_gen: v7x
topology: tpu7x:2x2x1
jax: 0.10.2.dev20260603
libtpu: 0.0.44.dev20260713+nightly
codegen_flags: <defaults>
</compile_context>

<pallas_src>
import functools

import jax
import jax.numpy as jnp
from jax import lax
from jax.experimental import pallas as pl
from jax.experimental.pallas import tpu as pltpu
from jax.experimental.pallas import tpu_sc as plsc

_NC = 2
_NS = 16
_L = 16
_NBUF = 4
_SPLIT = 4


@functools.partial(jax.jit, static_argnums=(4, 5, 6))
def _pwlu_sc(x2, lpts, spts, par, rows, plane, nchan):
    nw = _NC * _NS
    rows_per_w = rows // nw
    nvec = plane // _L

    mesh = plsc.VectorSubcoreMesh(core_axis_name="c", subcore_axis_name="s")

    @functools.partial(
        pl.kernel,
        out_type=jax.ShapeDtypeStruct((rows, plane), jnp.float32),
        mesh=mesh,
        scratch_types=[pltpu.VMEM((plane,), jnp.float32)] * _NBUF
        + [
            pltpu.VMEM(lpts.shape, jnp.float32),
            pltpu.VMEM(spts.shape, jnp.float32),
            pltpu.VMEM(par.shape, jnp.float32),
        ]
        + [pltpu.SemaphoreType.DMA] * (2 * _NBUF),
        compiler_params=pltpu.CompilerParams(needs_layout_passes=False),
    )
    def body(x_hbm, l_hbm, s_hbm, par_hbm, out_hbm, *rest):
        bufs = rest[:_NBUF]
        lv, sv, parv = rest[_NBUF : _NBUF + 3]
        slds = rest[_NBUF + 3 : 2 * _NBUF + 3]
        ssts = rest[2 * _NBUF + 3 :]
        wid = lax.axis_index("s") * _NC + lax.axis_index("c")
        base_row = wid * rows_per_w
        pltpu.sync_copy(l_hbm, lv)
        pltpu.sync_copy(s_hbm, sv)
        pltpu.sync_copy(par_hbm, parv)

        def start_load(k, b):
            pltpu.async_copy(x_hbm.at[base_row + k], bufs[b], slds[b])

        def wait_load(b):
            pltpu.make_async_copy(x_hbm.at[0], bufs[b], slds[b]).wait()

        def start_store(k, b):
            pltpu.async_copy(bufs[b], out_hbm.at[base_row + k], ssts[b])

        def wait_store(b):
            pltpu.make_async_copy(bufs[b], out_hbm.at[0], ssts[b]).wait()

        for b in range(_NBUF - 1):
            start_load(b, b)

        def outer(i, carry):
            for b in range(_NBUF):
                k = _NBUF * i + b
                c = lax.rem(lax.div(base_row + k, _SPLIT), nchan)
                wait_load(b)
                a = parv[0, c]
                off = parv[1, c]
                lo = parv[2, c]
                hi = parv[3, c]
                bufb = bufs[b]

                @plsc.parallel_loop(0, nvec, unroll=8)
                def _(j):
                    sl = pl.ds(j * _L, _L)
                    v = bufb[sl]
                    t = v * a + off
                    tc = jnp.minimum(jnp.maximum(t, lo), hi)
                    ri = tc.astype(jnp.int32)
                    d = t - ri.astype(jnp.float32)
                    left = plsc.load_gather(lv, [ri])
                    slope = plsc.load_gather(sv, [ri])
                    bufb[sl] = left + d * slope

                start_store(k, b)
                p = (b + _NBUF - 1) % _NBUF

                @pl.when(k + _NBUF - 1 < rows_per_w)
                def _():
                    @pl.when(k > 0)
                    def _():
                        wait_store(p)

                    start_load(k + _NBUF - 1, p)
            return carry

        lax.fori_loop(0, rows_per_w // _NBUF, outer, 0)
        for b in range(_NBUF):
            wait_store(b)

    return body(x2, lpts, spts, par)


def kernel(x, points, bounds):
    b, c, h, w = x.shape
    n_regions = points.shape[1] - 1
    rows = b * c * _SPLIT
    plane = (h * w) // _SPLIT

    x2 = x.reshape(rows, plane)
    lpts = jnp.zeros((c, 16), jnp.float32).at[:, : points.shape[1]].set(points)
    spts = (
        jnp.zeros((c, 16), jnp.float32)
        .at[:, :n_regions]
        .set(points[:, 1:] - points[:, :-1])
    )
    lo = bounds[:, 0]
    hi = bounds[:, 1]
    a = n_regions / (hi - lo)
    base = 16.0 * jnp.arange(c, dtype=jnp.float32)
    par = jnp.stack(
        [a, -lo * a + base, base, base + jnp.float32(0.999 * n_regions)]
    )
    par = jnp.broadcast_to(par[:, :, None], (4, c, _L))

    out = _pwlu_sc(x2, lpts.reshape(-1), spts.reshape(-1), par, rows, plane, c)
    return out.reshape(b, c, h, w)

# --- scband reference (transcript-rebuilt; emitter-appended) ---
"""Pipeline reference for scband-pwlubase-3659312136864 (READ-ONLY COPY).

The authoritative reference and input builder live on the scoring server;
editing this copy changes nothing except your own understanding.
"""

import jax, jax.numpy as jnp
import numpy as np

N_REGIONS = 12
N_CHANNELS = 96
BOUND = 2.5


def setup_inputs(seed: int = 0) -> dict:
    key = jax.random.key(seed)
    x = jax.random.normal(jax.random.fold_in(key, 0), (8, 96, 224, 224), dtype=jnp.float32)
    # channelwise bounds: [-bound, bound] repeated per channel -> [C, 2]
    bounds = jnp.tile(jnp.array([-BOUND, BOUND], dtype=jnp.float32)[None, :], (N_CHANNELS, 1))
    # relu init of points: evaluate relu on a uniform grid over [-bound, bound]
    grid = jnp.linspace(-BOUND, BOUND, N_REGIONS + 1).astype(jnp.float32)
    points = jnp.tile(jnp.maximum(grid, 0.0)[None, :], (N_CHANNELS, 1))
    return {"x": x, "points": points, "bounds": bounds}


def reference(x, points, bounds):
    # channelwise PWLU: points [C, n_points], bounds [C, 2]
    n_regions = points.shape[1] - 1
    batch_size, n_channels = x.shape[0], x.shape[1]
    other_dims = x.shape[2:]
    # bounds has shape [C, 2]
    x_channels_last = jnp.moveaxis(x, 1, -1)  # [B, H, W, C]
    x_normal = (x_channels_last - bounds[..., 0]) / (bounds[..., 1] - bounds[..., 0])
    x_normal = jnp.moveaxis(x_normal, -1, 0)  # [C, B, H, W]
    regions = jnp.floor(jnp.clip(x_normal, 0.0, 0.999) * n_regions)
    dists = x_normal * n_regions - regions
    regions_packed = regions.astype(jnp.int32).reshape(n_channels, -1)
    left_points = jnp.take_along_axis(points, regions_packed, axis=-1)
    right_points = jnp.take_along_axis(points, regions_packed + 1, axis=-1)
    left_points = jnp.moveaxis(left_points.reshape((n_channels, batch_size) + other_dims), 0, 1)
    right_points = jnp.moveaxis(right_points.reshape((n_channels, batch_size) + other_dims), 0, 1)
    dists = jnp.moveaxis(dists, 0, 1)
    ret = left_points * (1.0 - dists) + right_points * dists
    return ret

if __name__ == "__main__":
    import jax
    _d = setup_inputs()
    print(jax.jit(kernel)(*tuple(_d.values())))

</pallas_src>

<mosaic_0001>
#map = affine_map<(d0, d1) -> (0, 0)>
#map1 = affine_map<(d0, d1) -> (0)>
#map2 = affine_map<(d0, d1) -> (0, 0, 0)>
module attributes {stable_mosaic.version = 14 : i64} {
  func.func @body(%arg0: i32, %arg1: i32, %arg2: memref<3072x12544xf32, #tpu.memory_space<hbm>>, %arg3: memref<1536xf32, #tpu.memory_space<hbm>>, %arg4: memref<1536xf32, #tpu.memory_space<hbm>>, %arg5: memref<4x96x16xf32, #tpu.memory_space<hbm>>, %arg6: memref<3072x12544xf32, #tpu.memory_space<hbm>>, %arg7: memref<12544xf32, #tpu.memory_space<vmem>>, %arg8: memref<12544xf32, #tpu.memory_space<vmem>>, %arg9: memref<12544xf32, #tpu.memory_space<vmem>>, %arg10: memref<12544xf32, #tpu.memory_space<vmem>>, %arg11: memref<1536xf32, #tpu.memory_space<vmem>>, %arg12: memref<1536xf32, #tpu.memory_space<vmem>>, %arg13: memref<4x96x16xf32, #tpu.memory_space<vmem>>, %arg14: memref<!tpu.dma_semaphore, #tpu.memory_space<semaphore_mem>>, %arg15: memref<!tpu.dma_semaphore, #tpu.memory_space<semaphore_mem>>, %arg16: memref<!tpu.dma_semaphore, #tpu.memory_space<semaphore_mem>>, %arg17: memref<!tpu.dma_semaphore, #tpu.memory_space<semaphore_mem>>, %arg18: memref<!tpu.dma_semaphore, #tpu.memory_space<semaphore_mem>>, %arg19: memref<!tpu.dma_semaphore, #tpu.memory_space<semaphore_mem>>, %arg20: memref<!tpu.dma_semaphore, #tpu.memory_space<semaphore_mem>>, %arg21: memref<!tpu.dma_semaphore, #tpu.memory_space<semaphore_mem>>) attributes {dimension_semantics = [#tpu.dimension_semantics<core_parallel>, #tpu.dimension_semantics<subcore_parallel>], iteration_bounds = array<i64: 2, 16>, scalar_prefetch = 0 : i64, scratch_operands = 15 : i64, tpu.core_type = #tpu.core_type<sc_vector_subcore>, window_params = [{transform_indices = #map}, {transform_indices = #map1}, {transform_indices = #map1}, {transform_indices = #map2}, {transform_indices = #map}]} {
    %mul3A = arith.constant 2 : i32
    %mul3A_0 = arith.muli %arg1, %mul3A : i32
    %add3A = arith.addi %mul3A_0, %arg0 : i32
    %mul3A_1 = arith.constant 96 : i32
    %mul3A_2 = arith.muli %add3A, %mul3A_1 : i32
    "tpu.region"() ({
      %run_scoped3A = tpu.sem_alloc : memref<!tpu.dma_semaphore, #tpu.memory_space<semaphore_mem>>
      tpu.enqueue_dma source(%arg3 : memref<1536xf32, #tpu.memory_space<hbm>>) target(%arg11 : memref<1536xf32, #tpu.memory_space<vmem>>) target_semaphore(%run_scoped3A : memref<!tpu.dma_semaphore, #tpu.memory_space<semaphore_mem>>)
      tpu.wait_dma2 semaphore(%run_scoped3A : memref<!tpu.dma_semaphore, #tpu.memory_space<semaphore_mem>>) src(%arg3 : memref<1536xf32, #tpu.memory_space<hbm>>) dst(%arg11 : memref<1536xf32, #tpu.memory_space<vmem>>)
      tpu.yield
    }) : () -> ()
    "tpu.region"() ({
      %run_scoped3A = tpu.sem_alloc : memref<!tpu.dma_semaphore, #tpu.memory_space<semaphore_mem>>
      tpu.enqueue_dma source(%arg4 : memref<1536xf32, #tpu.memory_space<hbm>>) target(%arg12 : memref<1536xf32, #tpu.memory_space<vmem>>) target_semaphore(%run_scoped3A : memref<!tpu.dma_semaphore, #tpu.memory_space<semaphore_mem>>)
      tpu.wait_dma2 semaphore(%run_scoped3A : memref<!tpu.dma_semaphore, #tpu.memory_space<semaphore_mem>>) src(%arg4 : memref<1536xf32, #tpu.memory_space<hbm>>) dst(%arg12 : memref<1536xf32, #tpu.memory_space<vmem>>)
      tpu.yield
    }) : () -> ()
    "tpu.region"() ({
      %run_scoped3A = tpu.sem_alloc : memref<!tpu.dma_semaphore, #tpu.memory_space<semaphore_mem>>
      tpu.enqueue_dma source(%arg5 : memref<4x96x16xf32, #tpu.memory_space<hbm>>) target(%arg13 : memref<4x96x16xf32, #tpu.memory_space<vmem>>) target_semaphore(%run_scoped3A : memref<!tpu.dma_semaphore, #tpu.memory_space<semaphore_mem>>)
      tpu.wait_dma2 semaphore(%run_scoped3A : memref<!tpu.dma_semaphore, #tpu.memory_space<semaphore_mem>>) src(%arg5 : memref<4x96x16xf32, #tpu.memory_space<hbm>>) dst(%arg13 : memref<4x96x16xf32, #tpu.memory_space<vmem>>)
      tpu.yield
    }) : () -> ()
    %add3A_3 = arith.constant 0 : i32
    %add3A_4 = arith.addi %mul3A_2, %add3A_3 : i32
    %dma_start3A = arith.constant 0 : i32
    %dma_start3A_5 = tpu.memref_slice %arg2[%add3A_4, %dma_start3A] : memref<3072x12544xf32, #tpu.memory_space<hbm>> -> memref<1x12544xf32, #tpu.memory_space<hbm>>
    %dma_start3A_6 = tpu.memref_squeeze %dma_start3A_5 : memref<1x12544xf32, #tpu.memory_space<hbm>> -> memref<12544xf32, #tpu.memory_space<hbm>>
    %dma_start3A_7 = arith.constant 0 : i32
    %dma_start3A_8 = tpu.memref_slice %arg2[%add3A_4, %dma_start3A_7] : memref<3072x12544xf32, #tpu.memory_space<hbm>> -> memref<1x12544xf32, #tpu.memory_space<hbm>>
    %dma_start3A_9 = tpu.memref_squeeze %dma_start3A_8 : memref<1x12544xf32, #tpu.memory_space<hbm>> -> memref<12544xf32, #tpu.memory_space<hbm>>
    tpu.enqueue_dma source(%dma_start3A_9 : memref<12544xf32, #tpu.memory_space<hbm>>) target(%arg7 : memref<12544xf32, #tpu.memory_space<vmem>>) target_semaphore(%arg14 : memref<!tpu.dma_semaphore, #tpu.memory_space<semaphore_mem>>)
    %add3A_10 = arith.constant 1 : i32
    %add3A_11 = arith.addi %mul3A_2, %add3A_10 : i32
    %dma_start3A_12 = arith.constant 0 : i32
    %dma_start3A_13 = tpu.memref_slice %arg2[%add3A_11, %dma_start3A_12] : memref<3072x12544xf32, #tpu.memory_space<hbm>> -> memref<1x12544xf32, #tpu.memory_space<hbm>>
    %dma_start3A_14 = tpu.memref_squeeze %dma_start3A_13 : memref<1x12544xf32, #tpu.memory_space<hbm>> -> memref<12544xf32, #tpu.memory_space<hbm>>
    %dma_start3A_15 = arith.constant 0 : i32
    %dma_start3A_16 = tpu.memref_slice %arg2[%add3A_11, %dma_start3A_15] : memref<3072x12544xf32, #tpu.memory_space<hbm>> -> memref<1x12544xf32, #tpu.memory_space<hbm>>
    %dma_start3A_17 = tpu.memref_squeeze %dma_start3A_16 : memref<1x12544xf32, #tpu.memory_space<hbm>> -> memref<12544xf32, #tpu.memory_space<hbm>>
    tpu.enqueue_dma source(%dma_start3A_17 : memref<12544xf32, #tpu.memory_space<hbm>>) target(%arg8 : memref<12544xf32, #tpu.memory_space<vmem>>) target_semaphore(%arg15 : memref<!tpu.dma_semaphore, #tpu.memory_space<semaphore_mem>>)
    %add3A_18 = arith.constant 2 : i32
    %add3A_19 = arith.addi %mul3A_2, %add3A_18 : i32
    %dma_start3A_20 = arith.constant 0 : i32
    %dma_start3A_21 = tpu.memref_slice %arg2[%add3A_19, %dma_start3A_20] : memref<3072x12544xf32, #tpu.memory_space<hbm>> -> memref<1x12544xf32, #tpu.memory_space<hbm>>
    %dma_start3A_22 = tpu.memref_squeeze %dma_start3A_21 : memref<1x12544xf32, #tpu.memory_space<hbm>> -> memref<12544xf32, #tpu.memory_space<hbm>>
    %dma_start3A_23 = arith.constant 0 : i32
    %dma_start3A_24 = tpu.memref_slice %arg2[%add3A_19, %dma_start3A_23] : memref<3072x12544xf32, #tpu.memory_space<hbm>> -> memref<1x12544xf32, #tpu.memory_space<hbm>>
    %dma_start3A_25 = tpu.memref_squeeze %dma_start3A_24 : memref<1x12544xf32, #tpu.memory_space<hbm>> -> memref<12544xf32, #tpu.memory_space<hbm>>
    tpu.enqueue_dma source(%dma_start3A_25 : memref<12544xf32, #tpu.memory_space<hbm>>) target(%arg9 : memref<12544xf32, #tpu.memory_space<vmem>>) target_semaphore(%arg16 : memref<!tpu.dma_semaphore, #tpu.memory_space<semaphore_mem>>)
    %scan3A = arith.constant 0 : i32
    %scan3A_26 = arith.constant 0 : i32
    %scan3A_27 = arith.constant 24 : i32
    %scan3A_28 = arith.addi %scan3A_26, %scan3A_27 : i32
    %scan3A_29 = arith.constant 1 : i32
    scf.for %scan3A_58 = %scan3A_26 to %scan3A_28 step %scan3A_29  : i32 {
      %mul3A_59 = arith.constant 4 : i32
      %mul3A_60 = arith.muli %mul3A_59, %scan3A_58 : i32
      %add3A_61 = arith.constant 0 : i32
      %add3A_62 = arith.addi %mul3A_60, %add3A_61 : i32
      %add3A_63 = arith.addi %mul3A_2, %add3A_62 : i32
      %div3A = arith.constant 4 : i32
      %div3A_64 = arith.divsi %add3A_63, %div3A : i32
      %rem3A = arith.constant 96 : i32
      %rem3A_65 = arith.remsi %div3A_64, %rem3A : i32
      %dma_wait3A_66 = arith.constant 0 : i32
      %dma_wait3A_67 = arith.constant 0 : i32
      %dma_wait3A_68 = tpu.memref_slice %arg2[%dma_wait3A_66, %dma_wait3A_67] : memref<3072x12544xf32, #tpu.memory_space<hbm>> -> memref<1x12544xf32, #tpu.memory_space<hbm>>
      %dma_wait3A_69 = tpu.memref_squeeze %dma_wait3A_68 : memref<1x12544xf32, #tpu.memory_space<hbm>> -> memref<12544xf32, #tpu.memory_space<hbm>>
      %dma_wait3A_70 = arith.constant 0 : i32
      %dma_wait3A_71 = tpu.memref_slice %arg2[%dma_wait3A_66, %dma_wait3A_70] : memref<3072x12544xf32, #tpu.memory_space<hbm>> -> memref<1x12544xf32, #tpu.memory_space<hbm>>
      %dma_wait3A_72 = tpu.memref_squeeze %dma_wait3A_71 : memref<1x12544xf32, #tpu.memory_space<hbm>> -> memref<12544xf32, #tpu.memory_space<hbm>>
      tpu.wait_dma2 semaphore(%arg14 : memref<!tpu.dma_semaphore, #tpu.memory_space<semaphore_mem>>) src(%dma_wait3A_72 : memref<12544xf32, #tpu.memory_space<hbm>>) dst(%arg7 : memref<12544xf32, #tpu.memory_space<vmem>>)
      %get3A = arith.constant 0 : i32
      %get3A_73 = arith.index_cast %get3A : i32 to index
      %get3A_74 = arith.index_cast %rem3A_65 : i32 to index
      %get3A_75 = arith.constant 0 : index
      %get3A_76 = tpu.vector_load %arg13[%get3A_73, %get3A_74, %get3A_75] {strides = array<i32>} : memref<4x96x16xf32, #tpu.memory_space<vmem>>, vector<16xf32>,
      %get3A_77 = arith.constant 1 : i32
      %get3A_78 = arith.index_cast %get3A_77 : i32 to index
      %get3A_79 = arith.index_cast %rem3A_65 : i32 to index
      %get3A_80 = arith.constant 0 : index
      %get3A_81 = tpu.vector_load %arg13[%get3A_78, %get3A_79, %get3A_80] {strides = array<i32>} : memref<4x96x16xf32, #tpu.memory_space<vmem>>, vector<16xf32>,
      %get3A_82 = arith.constant 2 : i32
      %get3A_83 = arith.index_cast %get3A_82 : i32 to index
      %get3A_84 = arith.index_cast %rem3A_65 : i32 to index
      %get3A_85 = arith.constant 0 : index
      %get3A_86 = tpu.vector_load %arg13[%get3A_83, %get3A_84, %get3A_85] {strides = array<i32>} : memref<4x96x16xf32, #tpu.memory_space<vmem>>, vector<16xf32>,
      %get3A_87 = arith.constant 3 : i32
      %get3A_88 = arith.index_cast %get3A_87 : i32 to index
      %get3A_89 = arith.index_cast %rem3A_65 : i32 to index
      %get3A_90 = arith.constant 0 : index
      %get3A_91 = tpu.vector_load %arg13[%get3A_88, %get3A_89, %get3A_90] {strides = array<i32>} : memref<4x96x16xf32, #tpu.memory_space<vmem>>, vector<16xf32>,
      %parallel_loop3A = arith.constant 0 : i32
      %parallel_loop3A_92 = arith.constant 784 : i32
      %parallel_loop3A_93 = arith.constant 1 : i32
      scf.for %parallel_loop3A_271 = %parallel_loop3A to %parallel_loop3A_92 step %parallel_loop3A_93  : i32 {
        %parallel_loop3A_272 = arith.constant 16 : i32
        %parallel_loop3A_273 = arith.muli %parallel_loop3A_271, %parallel_loop3A_272 : i32
        %parallel_loop3A_274 = arith.index_cast %parallel_loop3A_273 : i32 to index
        %parallel_loop3A_275 = tpu.vector_load %arg7[%parallel_loop3A_274] {strides = array<i32>} : memref<12544xf32, #tpu.memory_space<vmem>>, vector<16xf32>,
        %parallel_loop3A_276 = arith.mulf %parallel_loop3A_275, %get3A_76 : vector<16xf32>
        %parallel_loop3A_277 = arith.addf %parallel_loop3A_276, %get3A_81 : vector<16xf32>
        %parallel_loop3A_278 = arith.maximumf %parallel_loop3A_277, %get3A_86 : vector<16xf32>
        %parallel_loop3A_279 = arith.minimumf %parallel_loop3A_278, %get3A_91 : vector<16xf32>
        %parallel_loop3A_280 = arith.fptosi %parallel_loop3A_279 : vector<16xf32> to vector<16xi32>
        %parallel_loop3A_281 = arith.sitofp %parallel_loop3A_280 : vector<16xi32> to vector<16xf32>
        %parallel_loop3A_282 = arith.subf %parallel_loop3A_277, %parallel_loop3A_281 : vector<16xf32>
        %parallel_loop3A_283 = tpu.vector_load_idx %arg11[%parallel_loop3A_280] : memref<1536xf32, #tpu.memory_space<vmem>>[vector<16xi32>], vector<16xf32>,
        %parallel_loop3A_284 = tpu.vector_load_idx %arg12[%parallel_loop3A_280] : memref<1536xf32, #tpu.memory_space<vmem>>[vector<16xi32>], vector<16xf32>,
        %parallel_loop3A_285 = arith.mulf %parallel_loop3A_282, %parallel_loop3A_284 : vector<16xf32>
        %parallel_loop3A_286 = arith.addf %parallel_loop3A_283, %parallel_loop3A_285 : vector<16xf32>
        %parallel_loop3A_287 = arith.index_cast %parallel_loop3A_273 : i32 to index
        %parallel_loop3A_288 = tpu.vector_load %arg7[%parallel_loop3A_287] {strides = array<i32>} : memref<12544xf32, #tpu.memory_space<vmem>>, vector<16xf32>,
        tpu.vector_store %arg7[%parallel_loop3A_287], %parallel_loop3A_286 {strides = array<i32>} : memref<12544xf32, #tpu.memory_space<vmem>>, vector<16xf32>,
      } {sc.loop_unroll_factor = 8 : i64, sc.parallel_access}
      %add3A_94 = arith.addi %mul3A_2, %add3A_62 : i32
      %dma_start3A_95 = arith.constant 0 : i32
      %dma_start3A_96 = tpu.memref_slice %arg6[%add3A_94, %dma_start3A_95] : memref<3072x12544xf32, #tpu.memory_space<hbm>> -> memref<1x12544xf32, #tpu.memory_space<hbm>>
      %dma_start3A_97 = tpu.memref_squeeze %dma_start3A_96 : memref<1x12544xf32, #tpu.memory_space<hbm>> -> memref<12544xf32, #tpu.memory_space<hbm>>
      %dma_start3A_98 = arith.constant 0 : i32
      %dma_start3A_99 = tpu.memref_slice %arg6[%add3A_94, %dma_start3A_98] : memref<3072x12544xf32, #tpu.memory_space<hbm>> -> memref<1x12544xf32, #tpu.memory_space<hbm>>
      %dma_start3A_100 = tpu.memref_squeeze %dma_start3A_99 : memref<1x12544xf32, #tpu.memory_space<hbm>> -> memref<12544xf32, #tpu.memory_space<hbm>>
      tpu.enqueue_dma source(%arg7 : memref<12544xf32, #tpu.memory_space<vmem>>) target(%dma_start3A_100 : memref<12544xf32, #tpu.memory_space<hbm>>) target_semaphore(%arg18 : memref<!tpu.dma_semaphore, #tpu.memory_space<semaphore_mem>>)
      %add3A_101 = arith.constant 4 : i32
      %add3A_102 = arith.addi %add3A_62, %add3A_101 : i32
      %sub3A = arith.constant 1 : i32
      %sub3A_103 = arith.subi %add3A_102, %sub3A : i32
      %lt3A = arith.constant 96 : i32
      %lt3A_104 = arith.cmpi slt, %sub3A_103, %lt3A : i32
      %convert_element_type3A = arith.extui %lt3A_104 : i1 to i32
      %cond3A = arith.constant 0 : i32
      %cond3A_105 = arith.cmpi ne, %convert_element_type3A, %cond3A : i32
      scf.if %cond3A_105 {
        %gt3A = arith.constant 0 : i32
        %gt3A_271 = arith.cmpi sgt, %add3A_62, %gt3A : i32
        %convert_element_type3A_272 = arith.extui %gt3A_271 : i1 to i32
        %cond3A_273 = arith.constant 0 : i32
        %cond3A_274 = arith.cmpi ne, %convert_element_type3A_272, %cond3A_273 : i32
        scf.if %cond3A_274 {
          %dma_wait3A_286 = arith.constant 0 : i32
          %dma_wait3A_287 = arith.constant 0 : i32
          %dma_wait3A_288 = tpu.memref_slice %arg6[%dma_wait3A_286, %dma_wait3A_287] : memref<3072x12544xf32, #tpu.memory_space<hbm>> -> memref<1x12544xf32, #tpu.memory_space<hbm>>
          %dma_wait3A_289 = tpu.memref_squeeze %dma_wait3A_288 : memref<1x12544xf32, #tpu.memory_space<hbm>> -> memref<12544xf32, #tpu.memory_space<hbm>>
          %dma_wait3A_290 = arith.constant 0 : i32
          %dma_wait3A_291 = tpu.memref_slice %arg6[%dma_wait3A_286, %dma_wait3A_290] : memref<3072x12544xf32, #tpu.memory_space<hbm>> -> memref<1x12544xf32, #tpu.memory_space<hbm>>
          %dma_wait3A_292 = tpu.memref_squeeze %dma_wait3A_291 : memref<1x12544xf32, #tpu.memory_space<hbm>> -> memref<12544xf32, #tpu.memory_space<hbm>>
          tpu.wait_dma2 semaphore(%arg21 : memref<!tpu.dma_semaphore, #tpu.memory_space<semaphore_mem>>) src(%arg10 : memref<12544xf32, #tpu.memory_space<vmem>>) dst(%dma_wait3A_292 : memref<12544xf32, #tpu.memory_space<hbm>>)
        } else {
        }
        %add3A_275 = arith.constant 4 : i32
        %add3A_276 = arith.addi %add3A_62, %add3A_275 : i32
        %sub3A_277 = arith.constant 1 : i32
        %sub3A_278 = arith.subi %add3A_276, %sub3A_277 : i32
        %add3A_279 = arith.addi %mul3A_2, %sub3A_278 : i32
        %dma_start3A_280 = arith.constant 0 : i32
        %dma_start3A_281 = tpu.memref_slice %arg2[%add3A_279, %dma_start3A_280] : memref<3072x12544xf32, #tpu.memory_space<hbm>> -> memref<1x12544xf32, #tpu.memory_space<hbm>>
        %dma_start3A_282 = tpu.memref_squeeze %dma_start3A_281 : memref<1x12544xf32, #tpu.memory_space<hbm>> -> memref<12544xf32, #tpu.memory_space<hbm>>
        %dma_start3A_283 = arith.constant 0 : i32
        %dma_start3A_284 = tpu.memref_slice %arg2[%add3A_279, %dma_start3A_283] : memref<3072x12544xf32, #tpu.memory_space<hbm>> -> memref<1x12544xf32, #tpu.memory_space<hbm>>
        %dma_start3A_285 = tpu.memref_squeeze %dma_start3A_284 : memref<1x12544xf32, #tpu.memory_space<hbm>> -> memref<12544xf32, #tpu.memory_space<hbm>>
        tpu.enqueue_dma source(%dma_start3A_285 : memref<12544xf32, #tpu.memory_space<hbm>>) target(%arg10 : memref<12544xf32, #tpu.memory_space<vmem>>) target_semaphore(%arg17 : memref<!tpu.dma_semaphore, #tpu.memory_space<semaphore_mem>>)
      } else {
      }
      %mul3A_106 = arith.constant 4 : i32
      %mul3A_107 = arith.muli %mul3A_106, %scan3A_58 : i32
      %add3A_108 = arith.constant 1 : i32
      %add3A_109 = arith.addi %mul3A_107, %add3A_108 : i32
      %add3A_110 = arith.addi %mul3A_2, %add3A_109 : i32
      %div3A_111 = arith.constant 4 : i32
      %div3A_112 = arith.divsi %add3A_110, %div3A_111 : i32
      %rem3A_113 = arith.constant 96 : i32
      %rem3A_114 = arith.remsi %div3A_112, %rem3A_113 : i32
      %dma_wait3A_115 = arith.constant 0 : i32
      %dma_wait3A_116 = arith.constant 0 : i32
      %dma_wait3A_117 = tpu.memref_slice %arg2[%dma_wait3A_115, %dma_wait3A_116] : memref<3072x12544xf32, #tpu.memory_space<hbm>> -> memref<1x12544xf32, #tpu.memory_space<hbm>>
      %dma_wait3A_118 = tpu.memref_squeeze %dma_wait3A_117 : memref<1x12544xf32, #tpu.memory_space<hbm>> -> memref<12544xf32, #tpu.memory_space<hbm>>
      %dma_wait3A_119 = arith.constant 0 : i32
      %dma_wait3A_120 = tpu.memref_slice %arg2[%dma_wait3A_115, %dma_wait3A_119] : memref<3072x12544xf32, #tpu.memory_space<hbm>> -> memref<1x12544xf32, #tpu.memory_space<hbm>>
      %dma_wait3A_121 = tpu.memref_squeeze %dma_wait3A_120 : memref<1x12544xf32, #tpu.memory_space<hbm>> -> memref<12544xf32, #tpu.memory_space<hbm>>
      tpu.wait_dma2 semaphore(%arg15 : memref<!tpu.dma_semaphore, #tpu.memory_space<semaphore_mem>>) src(%dma_wait3A_121 : memref<12544xf32, #tpu.memory_space<hbm>>) dst(%arg8 : memref<12544xf32, #tpu.memory_space<vmem>>)
      %get3A_122 = arith.constant 0 : i32
      %get3A_123 = arith.index_cast %get3A_122 : i32 to index
      %get3A_124 = arith.index_cast %rem3A_114 : i32 to index
      %get3A_125 = arith.constant 0 : index
      %get3A_126 = tpu.vector_load %arg13[%get3A_123, %get3A_124, %get3A_125] {strides = array<i32>} : memref<4x96x16xf32, #tpu.memory_space<vmem>>, vector<16xf32>,
      %get3A_127 = arith.constant 1 : i32
      %get3A_128 = arith.index_cast %get3A_127 : i32 to index
      %get3A_129 = arith.index_cast %rem3A_114 : i32 to index
      %get3A_130 = arith.constant 0 : index
      %get3A_131 = tpu.vector_load %arg13[%get3A_128, %get3A_129, %get3A_130] {strides = array<i32>} : memref<4x96x16xf32, #tpu.memory_space<vmem>>, vector<16xf32>,
      %get3A_132 = arith.constant 2 : i32
      %get3A_133 = arith.index_cast %get3A_132 : i32 to index
      %get3A_134 = arith.index_cast %rem3A_114 : i32 to index
      %get3A_135 = arith.constant 0 : index
      %get3A_136 = tpu.vector_load %arg13[%get3A_133, %get3A_134, %get3A_135] {strides = array<i32>} : memref<4x96x16xf32, #tpu.memory_space<vmem>>, vector<16xf32>,
      %get3A_137 = arith.constant 3 : i32
      %get3A_138 = arith.index_cast %get3A_137 : i32 to index
      %get3A_139 = arith.index_cast %rem3A_114 : i32 to index
      %get3A_140 = arith.constant 0 : index
      %get3A_141 = tpu.vector_load %arg13[%get3A_138, %get3A_139, %get3A_140] {strides = array<i32>} : memref<4x96x16xf32, #tpu.memory_space<vmem>>, vector<16xf32>,
      %parallel_loop3A_142 = arith.constant 0 : i32
      %parallel_loop3A_143 = arith.constant 784 : i32
      %parallel_loop3A_144 = arith.constant 1 : i32
      scf.for %parallel_loop3A_271 = %parallel_loop3A_142 to %parallel_loop3A_143 step %parallel_loop3A_144  : i32 {
        %parallel_loop3A_272 = arith.constant 16 : i32
        %parallel_loop3A_273 = arith.muli %parallel_loop3A_271, %parallel_loop3A_272 : i32
        %parallel_loop3A_274 = arith.index_cast %parallel_loop3A_273 : i32 to index
        %parallel_loop3A_275 = tpu.vector_load %arg8[%parallel_loop3A_274] {strides = array<i32>} : memref<12544xf32, #tpu.memory_space<vmem>>, vector<16xf32>,
        %parallel_loop3A_276 = arith.mulf %parallel_loop3A_275, %get3A_126 : vector<16xf32>
        %parallel_loop3A_277 = arith.addf %parallel_loop3A_276, %get3A_131 : vector<16xf32>
        %parallel_loop3A_278 = arith.maximumf %parallel_loop3A_277, %get3A_136 : vector<16xf32>
        %parallel_loop3A_279 = arith.minimumf %parallel_loop3A_278, %get3A_141 : vector<16xf32>
        %parallel_loop3A_280 = arith.fptosi %parallel_loop3A_279 : vector<16xf32> to vector<16xi32>
        %parallel_loop3A_281 = arith.sitofp %parallel_loop3A_280 : vector<16xi32> to vector<16xf32>
        %parallel_loop3A_282 = arith.subf %parallel_loop3A_277, %parallel_loop3A_281 : vector<16xf32>
        %parallel_loop3A_283 = tpu.vector_load_idx %arg11[%parallel_loop3A_280] : memref<1536xf32, #tpu.memory_space<vmem>>[vector<16xi32>], vector<16xf32>,
        %parallel_loop3A_284 = tpu.vector_load_idx %arg12[%parallel_loop3A_280] : memref<1536xf32, #tpu.memory_space<vmem>>[vector<16xi32>], vector<16xf32>,
        %parallel_loop3A_285 = arith.mulf %parallel_loop3A_282, %parallel_loop3A_284 : vector<16xf32>
        %parallel_loop3A_286 = arith.addf %parallel_loop3A_283, %parallel_loop3A_285 : vector<16xf32>
        %parallel_loop3A_287 = arith.index_cast %parallel_loop3A_273 : i32 to index
        %parallel_loop3A_288 = tpu.vector_load %arg8[%parallel_loop3A_287] {strides = array<i32>} : memref<12544xf32, #tpu.memory_space<vmem>>, vector<16xf32>,
        tpu.vector_store %arg8[%parallel_loop3A_287], %parallel_loop3A_286 {strides = array<i32>} : memref<12544xf32, #tpu.memory_space<vmem>>, vector<16xf32>,
      } {sc.loop_unroll_factor = 8 : i64, sc.parallel_access}
      %add3A_145 = arith.addi %mul3A_2, %add3A_109 : i32
      %dma_start3A_146 = arith.constant 0 : i32
      %dma_start3A_147 = tpu.memref_slice %arg6[%add3A_145, %dma_start3A_146] : memref<3072x12544xf32, #tpu.memory_space<hbm>> -> memref<1x12544xf32, #tpu.memory_space<hbm>>
      %dma_start3A_148 = tpu.memref_squeeze %dma_start3A_147 : memref<1x12544xf32, #tpu.memory_space<hbm>> -> memref<12544xf32, #tpu.memory_space<hbm>>
      %dma_start3A_149 = arith.constant 0 : i32
      %dma_start3A_150 = tpu.memref_slice %arg6[%add3A_145, %dma_start3A_149] : memref<3072x12544xf32, #tpu.memory_space<hbm>> -> memref<1x12544xf32, #tpu.memory_space<hbm>>
      %dma_start3A_151 = tpu.memref_squeeze %dma_start3A_150 : memref<1x12544xf32, #tpu.memory_space<hbm>> -> memref<12544xf32, #tpu.memory_space<hbm>>
      tpu.enqueue_dma source(%arg8 : memref<12544xf32, #tpu.memory_space<vmem>>) target(%dma_start3A_151 : memref<12544xf32, #tpu.memory_space<hbm>>) target_semaphore(%arg19 : memref<!tpu.dma_semaphore, #tpu.memory_space<semaphore_mem>>)
      %add3A_152 = arith.constant 4 : i32
      %add3A_153 = arith.addi %add3A_109, %add3A_152 : i32
      %sub3A_154 = arith.constant 1 : i32
      %sub3A_155 = arith.subi %add3A_153, %sub3A_154 : i32
      %lt3A_156 = arith.constant 96 : i32
      %lt3A_157 = arith.cmpi slt, %sub3A_155, %lt3A_156 : i32
      %convert_element_type3A_158 = arith.extui %lt3A_157 : i1 to i32
      %cond3A_159 = arith.constant 0 : i32
      %cond3A_160 = arith.cmpi ne, %convert_element_type3A_158, %cond3A_159 : i32
      scf.if %cond3A_160 {
        %gt3A = arith.constant 0 : i32
        %gt3A_271 = arith.cmpi sgt, %add3A_109, %gt3A : i32
        %convert_element_type3A_272 = arith.extui %gt3A_271 : i1 to i32
        %cond3A_273 = arith.constant 0 : i32
        %cond3A_274 = arith.cmpi ne, %convert_element_type3A_272, %cond3A_273 : i32
        scf.if %cond3A_274 {
          %dma_wait3A_286 = arith.constant 0 : i32
          %dma_wait3A_287 = arith.constant 0 : i32
          %dma_wait3A_288 = tpu.memref_slice %arg6[%dma_wait3A_286, %dma_wait3A_287] : memref<3072x12544xf32, #tpu.memory_space<hbm>> -> memref<1x12544xf32, #tpu.memory_space<hbm>>
          %dma_wait3A_289 = tpu.memref_squeeze %dma_wait3A_288 : memref<1x12544xf32, #tpu.memory_space<hbm>> -> memref<12544xf32, #tpu.memory_space<hbm>>
          %dma_wait3A_290 = arith.constant 0 : i32
          %dma_wait3A_291 = tpu.memref_slice %arg6[%dma_wait3A_286, %dma_wait3A_290] : memref<3072x12544xf32, #tpu.memory_space<hbm>> -> memref<1x12544xf32, #tpu.memory_space<hbm>>
          %dma_wait3A_292 = tpu.memref_squeeze %dma_wait3A_291 : memref<1x12544xf32, #tpu.memory_space<hbm>> -> memref<12544xf32, #tpu.memory_space<hbm>>
          tpu.wait_dma2 semaphore(%arg18 : memref<!tpu.dma_semaphore, #tpu.memory_space<semaphore_mem>>) src(%arg7 : memref<12544xf32, #tpu.memory_space<vmem>>) dst(%dma_wait3A_292 : memref<12544xf32, #tpu.memory_space<hbm>>)
        } else {
        }
        %add3A_275 = arith.constant 4 : i32
        %add3A_276 = arith.addi %add3A_109, %add3A_275 : i32
        %sub3A_277 = arith.constant 1 : i32
        %sub3A_278 = arith.subi %add3A_276, %sub3A_277 : i32
        %add3A_279 = arith.addi %mul3A_2, %sub3A_278 : i32
        %dma_start3A_280 = arith.constant 0 : i32
        %dma_start3A_281 = tpu.memref_slice %arg2[%add3A_279, %dma_start3A_280] : memref<3072x12544xf32, #tpu.memory_space<hbm>> -> memref<1x12544xf32, #tpu.memory_space<hbm>>
        %dma_start3A_282 = tpu.memref_squeeze %dma_start3A_281 : memref<1x12544xf32, #tpu.memory_space<hbm>> -> memref<12544xf32, #tpu.memory_space<hbm>>
        %dma_start3A_283 = arith.constant 0 : i32
        %dma_start3A_284 = tpu.memref_slice %arg2[%add3A_279, %dma_start3A_283] : memref<3072x12544xf32, #tpu.memory_space<hbm>> -> memref<1x12544xf32, #tpu.memory_space<hbm>>
        %dma_start3A_285 = tpu.memref_squeeze %dma_start3A_284 : memref<1x12544xf32, #tpu.memory_space<hbm>> -> memref<12544xf32, #tpu.memory_space<hbm>>
        tpu.enqueue_dma source(%dma_start3A_285 : memref<12544xf32, #tpu.memory_space<hbm>>) target(%arg7 : memref<12544xf32, #tpu.memory_space<vmem>>) target_semaphore(%arg14 : memref<!tpu.dma_semaphore, #tpu.memory_space<semaphore_mem>>)
      } else {
      }
      %mul3A_161 = arith.constant 4 : i32
      %mul3A_162 = arith.muli %mul3A_161, %scan3A_58 : i32
      %add3A_163 = arith.constant 2 : i32
      %add3A_164 = arith.addi %mul3A_162, %add3A_163 : i32
      %add3A_165 = arith.addi %mul3A_2, %add3A_164 : i32
      %div3A_166 = arith.constant 4 : i32
      %div3A_167 = arith.divsi %add3A_165, %div3A_166 : i32
      %rem3A_168 = arith.constant 96 : i32
      %rem3A_169 = arith.remsi %div3A_167, %rem3A_168 : i32
      %dma_wait3A_170 = arith.constant 0 : i32
      %dma_wait3A_171 = arith.constant 0 : i32
      %dma_wait3A_172 = tpu.memref_slice %arg2[%dma_wait3A_170, %dma_wait3A_171] : memref<3072x12544xf32, #tpu.memory_space<hbm>> -> memref<1x12544xf32, #tpu.memory_space<hbm>>
      %dma_wait3A_173 = tpu.memref_squeeze %dma_wait3A_172 : memref<1x12544xf32, #tpu.memory_space<hbm>> -> memref<12544xf32, #tpu.memory_space<hbm>>
      %dma_wait3A_174 = arith.constant 0 : i32
      %dma_wait3A_175 = tpu.memref_slice %arg2[%dma_wait3A_170, %dma_wait3A_174] : memref<3072x12544xf32, #tpu.memory_space<hbm>> -> memref<1x12544xf32, #tpu.memory_space<hbm>>
      %dma_wait3A_176 = tpu.memref_squeeze %dma_wait3A_175 : memref<1x12544xf32, #tpu.memory_space<hbm>> -> memref<12544xf32, #tpu.memory_space<hbm>>
      tpu.wait_dma2 semaphore(%arg16 : memref<!tpu.dma_semaphore, #tpu.memory_space<semaphore_mem>>) src(%dma_wait3A_176 : memref<12544xf32, #tpu.memory_space<hbm>>) dst(%arg9 : memref<12544xf32, #tpu.memory_space<vmem>>)
      %get3A_177 = arith.constant 0 : i32
      %get3A_178 = arith.index_cast %get3A_177 : i32 to index
      %get3A_179 = arith.index_cast %rem3A_169 : i32 to index
      %get3A_180 = arith.constant 0 : index
      %get3A_181 = tpu.vector_load %arg13[%get3A_178, %get3A_179, %get3A_180] {strides = array<i32>} : memref<4x96x16xf32, #tpu.memory_space<vmem>>, vector<16xf32>,
      %get3A_182 = arith.constant 1 : i32
      %get3A_183 = arith.index_cast %get3A_182 : i32 to index
      %get3A_184 = arith.index_cast %rem3A_169 : i32 to index
      %get3A_185 = arith.constant 0 : index
      %get3A_186 = tpu.vector_load %arg13[%get3A_183, %get3A_184, %get3A_185] {strides = array<i32>} : memref<4x96x16xf32, #tpu.memory_space<vmem>>, vector<16xf32>,
      %get3A_187 = arith.constant 2 : i32
      %get3A_188 = arith.index_cast %get3A_187 : i32 to index
      %get3A_189 = arith.index_cast %rem3A_169 : i32 to index
      %get3A_190 = arith.constant 0 : index
      %get3A_191 = tpu.vector_load %arg13[%get3A_188, %get3A_189, %get3A_190] {strides = array<i32>} : memref<4x96x16xf32, #tpu.memory_space<vmem>>, vector<16xf32>,
      %get3A_192 = arith.constant 3 : i32
      %get3A_193 = arith.index_cast %get3A_192 : i32 to index
      %get3A_194 = arith.index_cast %rem3A_169 : i32 to index
      %get3A_195 = arith.constant 0 : index
      %get3A_196 = tpu.vector_load %arg13[%get3A_193, %get3A_194, %get3A_195] {strides = array<i32>} : memref<4x96x16xf32, #tpu.memory_space<vmem>>, vector<16xf32>,
      %parallel_loop3A_197 = arith.constant 0 : i32
      %parallel_loop3A_198 = arith.constant 784 : i32
      %parallel_loop3A_199 = arith.constant 1 : i32
      scf.for %parallel_loop3A_271 = %parallel_loop3A_197 to %parallel_loop3A_198 step %parallel_loop3A_199  : i32 {
        %parallel_loop3A_272 = arith.constant 16 : i32
        %parallel_loop3A_273 = arith.muli %parallel_loop3A_271, %parallel_loop3A_272 : i32
        %parallel_loop3A_274 = arith.index_cast %parallel_loop3A_273 : i32 to index
        %parallel_loop3A_275 = tpu.vector_load %arg9[%parallel_loop3A_274] {strides = array<i32>} : memref<12544xf32, #tpu.memory_space<vmem>>, vector<16xf32>,
        %parallel_loop3A_276 = arith.mulf %parallel_loop3A_275, %get3A_181 : vector<16xf32>
        %parallel_loop3A_277 = arith.addf %parallel_loop3A_276, %get3A_186 : vector<16xf32>
        %parallel_loop3A_278 = arith.maximumf %parallel_loop3A_277, %get3A_191 : vector<16xf32>
        %parallel_loop3A_279 = arith.minimumf %parallel_loop3A_278, %get3A_196 : vector<16xf32>
        %parallel_loop3A_280 = arith.fptosi %parallel_loop3A_279 : vector<16xf32> to vector<16xi32>
        %parallel_loop3A_281 = arith.sitofp %parallel_loop3A_280 : vector<16xi32> to vector<16xf32>
        %parallel_loop3A_282 = arith.subf %parallel_loop3A_277, %parallel_loop3A_281 : vector<16xf32>
        %parallel_loop3A_283 = tpu.vector_load_idx %arg11[%parallel_loop3A_280] : memref<1536xf32, #tpu.memory_space<vmem>>[vector<16xi32>], vector<16xf32>,
        %parallel_loop3A_284 = tpu.vector_load_idx %arg12[%parallel_loop3A_280] : memref<1536xf32, #tpu.memory_space<vmem>>[vector<16xi32>], vector<16xf32>,
        %parallel_loop3A_285 = arith.mulf %parallel_loop3A_282, %parallel_loop3A_284 : vector<16xf32>
        %parallel_loop3A_286 = arith.addf %parallel_loop3A_283, %parallel_loop3A_285 : vector<16xf32>
        %parallel_loop3A_287 = arith.index_cast %parallel_loop3A_273 : i32 to index
        %parallel_loop3A_288 = tpu.vector_load %arg9[%parallel_loop3A_287] {strides = array<i32>} : memref<12544xf32, #tpu.memory_space<vmem>>, vector<16xf32>,
        tpu.vector_store %arg9[%parallel_loop3A_287], %parallel_loop3A_286 {strides = array<i32>} : memref<12544xf32, #tpu.memory_space<vmem>>, vector<16xf32>,
      } {sc.loop_unroll_factor = 8 : i64, sc.parallel_access}
      %add3A_200 = arith.addi %mul3A_2, %add3A_164 : i32
      %dma_start3A_201 = arith.constant 0 : i32
      %dma_start3A_202 = tpu.memref_slice %arg6[%add3A_200, %dma_start3A_201] : memref<3072x12544xf32, #tpu.memory_space<hbm>> -> memref<1x12544xf32, #tpu.memory_space<hbm>>
      %dma_start3A_203 = tpu.memref_squeeze %dma_start3A_202 : memref<1x12544xf32, #tpu.memory_space<hbm>> -> memref<12544xf32, #tpu.memory_space<hbm>>
      %dma_start3A_204 = arith.constant 0 : i32
      %dma_start3A_205 = tpu.memref_slice %arg6[%add3A_200, %dma_start3A_204] : memref<3072x12544xf32, #tpu.memory_space<hbm>> -> memref<1x12544xf32, #tpu.memory_space<hbm>>
      %dma_start3A_206 = tpu.memref_squeeze %dma_start3A_205 : memref<1x12544xf32, #tpu.memory_space<hbm>> -> memref<12544xf32, #tpu.memory_space<hbm>>
      tpu.enqueue_dma source(%arg9 : memref<12544xf32, #tpu.memory_space<vmem>>) target(%dma_start3A_206 : memref<12544xf32, #tpu.memory_space<hbm>>) target_semaphore(%arg20 : memref<!tpu.dma_semaphore, #tpu.memory_space<semaphore_mem>>)
      %add3A_207 = arith.constant 4 : i32
      %add3A_208 = arith.addi %add3A_164, %add3A_207 : i32
      %sub3A_209 = arith.constant 1 : i32
      %sub3A_210 = arith.subi %add3A_208, %sub3A_209 : i32
      %lt3A_211 = arith.constant 96 : i32
      %lt3A_212 = arith.cmpi slt, %sub3A_210, %lt3A_211 : i32
      %convert_element_type3A_213 = arith.extui %lt3A_212 : i1 to i32
      %cond3A_214 = arith.constant 0 : i32
      %cond3A_215 = arith.cmpi ne, %convert_element_type3A_213, %cond3A_214 : i32
      scf.if %cond3A_215 {
        %gt3A = arith.constant 0 : i32
        %gt3A_271 = arith.cmpi sgt, %add3A_164, %gt3A : i32
        %convert_element_type3A_272 = arith.extui %gt3A_271 : i1 to i32
        %cond3A_273 = arith.constant 0 : i32
        %cond3A_274 = arith.cmpi ne, %convert_element_type3A_272, %cond3A_273 : i32
        scf.if %cond3A_274 {
          %dma_wait3A_286 = arith.constant 0 : i32
          %dma_wait3A_287 = arith.constant 0 : i32
          %dma_wait3A_288 = tpu.memref_slice %arg6[%dma_wait3A_286, %dma_wait3A_287] : memref<3072x12544xf32, #tpu.memory_space<hbm>> -> memref<1x12544xf32, #tpu.memory_space<hbm>>
          %dma_wait3A_289 = tpu.memref_squeeze %dma_wait3A_288 : memref<1x12544xf32, #tpu.memory_space<hbm>> -> memref<12544xf32, #tpu.memory_space<hbm>>
          %dma_wait3A_290 = arith.constant 0 : i32
          %dma_wait3A_291 = tpu.memref_slice %arg6[%dma_wait3A_286, %dma_wait3A_290] : memref<3072x12544xf32, #tpu.memory_space<hbm>> -> memref<1x12544xf32, #tpu.memory_space<hbm>>
          %dma_wait3A_292 = tpu.memref_squeeze %dma_wait3A_291 : memref<1x12544xf32, #tpu.memory_space<hbm>> -> memref<12544xf32, #tpu.memory_space<hbm>>
          tpu.wait_dma2 semaphore(%arg19 : memref<!tpu.dma_semaphore, #tpu.memory_space<semaphore_mem>>) src(%arg8 : memref<12544xf32, #tpu.memory_space<vmem>>) dst(%dma_wait3A_292 : memref<12544xf32, #tpu.memory_space<hbm>>)
        } else {
        }
        %add3A_275 = arith.constant 4 : i32
        %add3A_276 = arith.addi %add3A_164, %add3A_275 : i32
        %sub3A_277 = arith.constant 1 : i32
        %sub3A_278 = arith.subi %add3A_276, %sub3A_277 : i32
        %add3A_279 = arith.addi %mul3A_2, %sub3A_278 : i32
        %dma_start3A_280 = arith.constant 0 : i32
        %dma_start3A_281 = tpu.memref_slice %arg2[%add3A_279, %dma_start3A_280] : memref<3072x12544xf32, #tpu.memory_space<hbm>> -> memref<1x12544xf32, #tpu.memory_space<hbm>>
        %dma_start3A_282 = tpu.memref_squeeze %dma_start3A_281 : memref<1x12544xf32, #tpu.memory_space<hbm>> -> memref<12544xf32, #tpu.memory_space<hbm>>
        %dma_start3A_283 = arith.constant 0 : i32
        %dma_start3A_284 = tpu.memref_slice %arg2[%add3A_279, %dma_start3A_283] : memref<3072x12544xf32, #tpu.memory_space<hbm>> -> memref<1x12544xf32, #tpu.memory_space<hbm>>
        %dma_start3A_285 = tpu.memref_squeeze %dma_start3A_284 : memref<1x12544xf32, #tpu.memory_space<hbm>> -> memref<12544xf32, #tpu.memory_space<hbm>>
        tpu.enqueue_dma source(%dma_start3A_285 : memref<12544xf32, #tpu.memory_space<hbm>>) target(%arg8 : memref<12544xf32, #tpu.memory_space<vmem>>) target_semaphore(%arg15 : memref<!tpu.dma_semaphore, #tpu.memory_space<semaphore_mem>>)
      } else {
      }
      %mul3A_216 = arith.constant 4 : i32
      %mul3A_217 = arith.muli %mul3A_216, %scan3A_58 : i32
      %add3A_218 = arith.constant 3 : i32
      %add3A_219 = arith.addi %mul3A_217, %add3A_218 : i32
      %add3A_220 = arith.addi %mul3A_2, %add3A_219 : i32
      %div3A_221 = arith.constant 4 : i32
      %div3A_222 = arith.divsi %add3A_220, %div3A_221 : i32
      %rem3A_223 = arith.constant 96 : i32
      %rem3A_224 = arith.remsi %div3A_222, %rem3A_223 : i32
      %dma_wait3A_225 = arith.constant 0 : i32
      %dma_wait3A_226 = arith.constant 0 : i32
      %dma_wait3A_227 = tpu.memref_slice %arg2[%dma_wait3A_225, %dma_wait3A_226] : memref<3072x12544xf32, #tpu.memory_space<hbm>> -> memref<1x12544xf32, #tpu.memory_space<hbm>>
      %dma_wait3A_228 = tpu.memref_squeeze %dma_wait3A_227 : memref<1x12544xf32, #tpu.memory_space<hbm>> -> memref<12544xf32, #tpu.memory_space<hbm>>
      %dma_wait3A_229 = arith.constant 0 : i32
      %dma_wait3A_230 = tpu.memref_slice %arg2[%dma_wait3A_225, %dma_wait3A_229] : memref<3072x12544xf32, #tpu.memory_space<hbm>> -> memref<1x12544xf32, #tpu.memory_space<hbm>>
      %dma_wait3A_231 = tpu.memref_squeeze %dma_wait3A_230 : memref<1x12544xf32, #tpu.memory_space<hbm>> -> memref<12544xf32, #tpu.memory_space<hbm>>
      tpu.wait_dma2 semaphore(%arg17 : memref<!tpu.dma_semaphore, #tpu.memory_space<semaphore_mem>>) src(%dma_wait3A_231 : memref<12544xf32, #tpu.memory_space<hbm>>) dst(%arg10 : memref<12544xf32, #tpu.memory_space<vmem>>)
      %get3A_232 = arith.constant 0 : i32
      %get3A_233 = arith.index_cast %get3A_232 : i32 to index
      %get3A_234 = arith.index_cast %rem3A_224 : i32 to index
      %get3A_235 = arith.constant 0 : index
      %get3A_236 = tpu.vector_load %arg13[%get3A_233, %get3A_234, %get3A_235] {strides = array<i32>} : memref<4x96x16xf32, #tpu.memory_space<vmem>>, vector<16xf32>,
      %get3A_237 = arith.constant 1 : i32
      %get3A_238 = arith.index_cast %get3A_237 : i32 to index
      %get3A_239 = arith.index_cast %rem3A_224 : i32 to index
      %get3A_240 = arith.constant 0 : index
      %get3A_241 = tpu.vector_load %arg13[%get3A_238, %get3A_239, %get3A_240] {strides = array<i32>} : memref<4x96x16xf32, #tpu.memory_space<vmem>>, vector<16xf32>,
      %get3A_242 = arith.constant 2 : i32
      %get3A_243 = arith.index_cast %get3A_242 : i32 to index
      %get3A_244 = arith.index_cast %rem3A_224 : i32 to index
      %get3A_245 = arith.constant 0 : index
      %get3A_246 = tpu.vector_load %arg13[%get3A_243, %get3A_244, %get3A_245] {strides = array<i32>} : memref<4x96x16xf32, #tpu.memory_space<vmem>>, vector<16xf32>,
      %get3A_247 = arith.constant 3 : i32
      %get3A_248 = arith.index_cast %get3A_247 : i32 to index
      %get3A_249 = arith.index_cast %rem3A_224 : i32 to index
      %get3A_250 = arith.constant 0 : index
      %get3A_251 = tpu.vector_load %arg13[%get3A_248, %get3A_249, %get3A_250] {strides = array<i32>} : memref<4x96x16xf32, #tpu.memory_space<vmem>>, vector<16xf32>,
      %parallel_loop3A_252 = arith.constant 0 : i32
      %parallel_loop3A_253 = arith.constant 784 : i32
      %parallel_loop3A_254 = arith.constant 1 : i32
      scf.for %parallel_loop3A_271 = %parallel_loop3A_252 to %parallel_loop3A_253 step %parallel_loop3A_254  : i32 {
        %parallel_loop3A_272 = arith.constant 16 : i32
        %parallel_loop3A_273 = arith.muli %parallel_loop3A_271, %parallel_loop3A_272 : i32
        %parallel_loop3A_274 = arith.index_cast %parallel_loop3A_273 : i32 to index
        %parallel_loop3A_275 = tpu.vector_load %arg10[%parallel_loop3A_274] {strides = array<i32>} : memref<12544xf32, #tpu.memory_space<vmem>>, vector<16xf32>,
        %parallel_loop3A_276 = arith.mulf %parallel_loop3A_275, %get3A_236 : vector<16xf32>
        %parallel_loop3A_277 = arith.addf %parallel_loop3A_276, %get3A_241 : vector<16xf32>
        %parallel_loop3A_278 = arith.maximumf %parallel_loop3A_277, %get3A_246 : vector<16xf32>
        %parallel_loop3A_279 = arith.minimumf %parallel_loop3A_278, %get3A_251 : vector<16xf32>
        %parallel_loop3A_280 = arith.fptosi %parallel_loop3A_279 : vector<16xf32> to vector<16xi32>
        %parallel_loop3A_281 = arith.sitofp %parallel_loop3A_280 : vector<16xi32> to vector<16xf32>
        %parallel_loop3A_282 = arith.subf %parallel_loop3A_277, %parallel_loop3A_281 : vector<16xf32>
        %parallel_loop3A_283 = tpu.vector_load_idx %arg11[%parallel_loop3A_280] : memref<1536xf32, #tpu.memory_space<vmem>>[vector<16xi32>], vector<16xf32>,
        %parallel_loop3A_284 = tpu.vector_load_idx %arg12[%parallel_loop3A_280] : memref<1536xf32, #tpu.memory_space<vmem>>[vector<16xi32>], vector<16xf32>,
        %parallel_loop3A_285 = arith.mulf %parallel_loop3A_282, %parallel_loop3A_284 : vector<16xf32>
        %parallel_loop3A_286 = arith.addf %parallel_loop3A_283, %parallel_loop3A_285 : vector<16xf32>
        %parallel_loop3A_287 = arith.index_cast %parallel_loop3A_273 : i32 to index
        %parallel_loop3A_288 = tpu.vector_load %arg10[%parallel_loop3A_287] {strides = array<i32>} : memref<12544xf32, #tpu.memory_space<vmem>>, vector<16xf32>,
        tpu.vector_store %arg10[%parallel_loop3A_287], %parallel_loop3A_286 {strides = array<i32>} : memref<12544xf32, #tpu.memory_space<vmem>>, vector<16xf32>,
      } {sc.loop_unroll_factor = 8 : i64, sc.parallel_access}
      %add3A_255 = arith.addi %mul3A_2, %add3A_219 : i32
      %dma_start3A_256 = arith.constant 0 : i32
      %dma_start3A_257 = tpu.memref_slice %arg6[%add3A_255, %dma_start3A_256] : memref<3072x12544xf32, #tpu.memory_space<hbm>> -> memref<1x12544xf32, #tpu.memory_space<hbm>>
      %dma_start3A_258 = tpu.memref_squeeze %dma_start3A_257 : memref<1x12544xf32, #tpu.memory_space<hbm>> -> memref<12544xf32, #tpu.memory_space<hbm>>
      %dma_start3A_259 = arith.constant 0 : i32
      %dma_start3A_260 = tpu.memref_slice %arg6[%add3A_255, %dma_start3A_259] : memref<3072x12544xf32, #tpu.memory_space<hbm>> -> memref<1x12544xf32, #tpu.memory_space<hbm>>
      %dma_start3A_261 = tpu.memref_squeeze %dma_start3A_260 : memref<1x12544xf32, #tpu.memory_space<hbm>> -> memref<12544xf32, #tpu.memory_space<hbm>>
      tpu.enqueue_dma source(%arg10 : memref<12544xf32, #tpu.memory_space<vmem>>) target(%dma_start3A_261 : memref<12544xf32, #tpu.memory_space<hbm>>) target_semaphore(%arg21 : memref<!tpu.dma_semaphore, #tpu.memory_space<semaphore_mem>>)
      %add3A_262 = arith.constant 4 : i32
      %add3A_263 = arith.addi %add3A_219, %add3A_262 : i32
      %sub3A_264 = arith.constant 1 : i32
      %sub3A_265 = arith.subi %add3A_263, %sub3A_264 : i32
      %lt3A_266 = arith.constant 96 : i32
      %lt3A_267 = arith.cmpi slt, %sub3A_265, %lt3A_266 : i32
      %convert_element_type3A_268 = arith.extui %lt3A_267 : i1 to i32
      %cond3A_269 = arith.constant 0 : i32
      %cond3A_270 = arith.cmpi ne, %convert_element_type3A_268, %cond3A_269 : i32
      scf.if %cond3A_270 {
        %gt3A = arith.constant 0 : i32
        %gt3A_271 = arith.cmpi sgt, %add3A_219, %gt3A : i32
        %convert_element_type3A_272 = arith.extui %gt3A_271 : i1 to i32
        %cond3A_273 = arith.constant 0 : i32
        %cond3A_274 = arith.cmpi ne, %convert_element_type3A_272, %cond3A_273 : i32
        scf.if %cond3A_274 {
          %dma_wait3A_286 = arith.constant 0 : i32
          %dma_wait3A_287 = arith.constant 0 : i32
          %dma_wait3A_288 = tpu.memref_slice %arg6[%dma_wait3A_286, %dma_wait3A_287] : memref<3072x12544xf32, #tpu.memory_space<hbm>> -> memref<1x12544xf32, #tpu.memory_space<hbm>>
          %dma_wait3A_289 = tpu.memref_squeeze %dma_wait3A_288 : memref<1x12544xf32, #tpu.memory_space<hbm>> -> memref<12544xf32, #tpu.memory_space<hbm>>
          %dma_wait3A_290 = arith.constant 0 : i32
          %dma_wait3A_291 = tpu.memref_slice %arg6[%dma_wait3A_286, %dma_wait3A_290] : memref<3072x12544xf32, #tpu.memory_space<hbm>> -> memref<1x12544xf32, #tpu.memory_space<hbm>>
          %dma_wait3A_292 = tpu.memref_squeeze %dma_wait3A_291 : memref<1x12544xf32, #tpu.memory_space<hbm>> -> memref<12544xf32, #tpu.memory_space<hbm>>
          tpu.wait_dma2 semaphore(%arg20 : memref<!tpu.dma_semaphore, #tpu.memory_space<semaphore_mem>>) src(%arg9 : memref<12544xf32, #tpu.memory_space<vmem>>) dst(%dma_wait3A_292 : memref<12544xf32, #tpu.memory_space<hbm>>)
        } else {
        }
        %add3A_275 = arith.constant 4 : i32
        %add3A_276 = arith.addi %add3A_219, %add3A_275 : i32
        %sub3A_277 = arith.constant 1 : i32
        %sub3A_278 = arith.subi %add3A_276, %sub3A_277 : i32
        %add3A_279 = arith.addi %mul3A_2, %sub3A_278 : i32
        %dma_start3A_280 = arith.constant 0 : i32
        %dma_start3A_281 = tpu.memref_slice %arg2[%add3A_279, %dma_start3A_280] : memref<3072x12544xf32, #tpu.memory_space<hbm>> -> memref<1x12544xf32, #tpu.memory_space<hbm>>
        %dma_start3A_282 = tpu.memref_squeeze %dma_start3A_281 : memref<1x12544xf32, #tpu.memory_space<hbm>> -> memref<12544xf32, #tpu.memory_space<hbm>>
        %dma_start3A_283 = arith.constant 0 : i32
        %dma_start3A_284 = tpu.memref_slice %arg2[%add3A_279, %dma_start3A_283] : memref<3072x12544xf32, #tpu.memory_space<hbm>> -> memref<1x12544xf32, #tpu.memory_space<hbm>>
        %dma_start3A_285 = tpu.memref_squeeze %dma_start3A_284 : memref<1x12544xf32, #tpu.memory_space<hbm>> -> memref<12544xf32, #tpu.memory_space<hbm>>
        tpu.enqueue_dma source(%dma_start3A_285 : memref<12544xf32, #tpu.memory_space<hbm>>) target(%arg9 : memref<12544xf32, #tpu.memory_space<vmem>>) target_semaphore(%arg16 : memref<!tpu.dma_semaphore, #tpu.memory_space<semaphore_mem>>)
      } else {
      }
    }
    %scan3A_30 = arith.constant 24 : i32
    %dma_wait3A = arith.constant 0 : i32
    %dma_wait3A_31 = arith.constant 0 : i32
    %dma_wait3A_32 = tpu.memref_slice %arg6[%dma_wait3A, %dma_wait3A_31] : memref<3072x12544xf32, #tpu.memory_space<hbm>> -> memref<1x12544xf32, #tpu.memory_space<hbm>>
    %dma_wait3A_33 = tpu.memref_squeeze %dma_wait3A_32 : memref<1x12544xf32, #tpu.memory_space<hbm>> -> memref<12544xf32, #tpu.memory_space<hbm>>
    %dma_wait3A_34 = arith.constant 0 : i32
    %dma_wait3A_35 = tpu.memref_slice %arg6[%dma_wait3A, %dma_wait3A_34] : memref<3072x12544xf32, #tpu.memory_space<hbm>> -> memref<1x12544xf32, #tpu.memory_space<hbm>>
    %dma_wait3A_36 = tpu.memref_squeeze %dma_wait3A_35 : memref<1x12544xf32, #tpu.memory_space<hbm>> -> memref<12544xf32, #tpu.memory_space<hbm>>
    tpu.wait_dma2 semaphore(%arg18 : memref<!tpu.dma_semaphore, #tpu.memory_space<semaphore_mem>>) src(%arg7 : memref<12544xf32, #tpu.memory_space<vmem>>) dst(%dma_wait3A_36 : memref<12544xf32, #tpu.memory_space<hbm>>)
    %dma_wait3A_37 = arith.constant 0 : i32
    %dma_wait3A_38 = arith.constant 0 : i32
    %dma_wait3A_39 = tpu.memref_slice %arg6[%dma_wait3A_37, %dma_wait3A_38] : memref<3072x12544xf32, #tpu.memory_space<hbm>> -> memref<1x12544xf32, #tpu.memory_space<hbm>>
    %dma_wait3A_40 = tpu.memref_squeeze %dma_wait3A_39 : memref<1x12544xf32, #tpu.memory_space<hbm>> -> memref<12544xf32, #tpu.memory_space<hbm>>
    %dma_wait3A_41 = arith.constant 0 : i32
    %dma_wait3A_42 = tpu.memref_slice %arg6[%dma_wait3A_37, %dma_wait3A_41] : memref<3072x12544xf32, #tpu.memory_space<hbm>> -> memref<1x12544xf32, #tpu.memory_space<hbm>>
    %dma_wait3A_43 = tpu.memref_squeeze %dma_wait3A_42 : memref<1x12544xf32, #tpu.memory_space<hbm>> -> memref<12544xf32, #tpu.memory_space<hbm>>
    tpu.wait_dma2 semaphore(%arg19 : memref<!tpu.dma_semaphore, #tpu.memory_space<semaphore_mem>>) src(%arg8 : memref<12544xf32, #tpu.memory_space<vmem>>) dst(%dma_wait3A_43 : memref<12544xf32, #tpu.memory_space<hbm>>)
    %dma_wait3A_44 = arith.constant 0 : i32
    %dma_wait3A_45 = arith.constant 0 : i32
    %dma_wait3A_46 = tpu.memref_slice %arg6[%dma_wait3A_44, %dma_wait3A_45] : memref<3072x12544xf32, #tpu.memory_space<hbm>> -> memref<1x12544xf32, #tpu.memory_space<hbm>>
    %dma_wait3A_47 = tpu.memref_squeeze %dma_wait3A_46 : memref<1x12544xf32, #tpu.memory_space<hbm>> -> memref<12544xf32, #tpu.memory_space<hbm>>
    %dma_wait3A_48 = arith.constant 0 : i32
    %dma_wait3A_49 = tpu.memref_slice %arg6[%dma_wait3A_44, %dma_wait3A_48] : memref<3072x12544xf32, #tpu.memory_space<hbm>> -> memref<1x12544xf32, #tpu.memory_space<hbm>>
    %dma_wait3A_50 = tpu.memref_squeeze %dma_wait3A_49 : memref<1x12544xf32, #tpu.memory_space<hbm>> -> memref<12544xf32, #tpu.memory_space<hbm>>
    tpu.wait_dma2 semaphore(%arg20 : memref<!tpu.dma_semaphore, #tpu.memory_space<semaphore_mem>>) src(%arg9 : memref<12544xf32, #tpu.memory_space<vmem>>) dst(%dma_wait3A_50 : memref<12544xf32, #tpu.memory_space<hbm>>)
    %dma_wait3A_51 = arith.constant 0 : i32
    %dma_wait3A_52 = arith.constant 0 : i32
    %dma_wait3A_53 = tpu.memref_slice %arg6[%dma_wait3A_51, %dma_wait3A_52] : memref<3072x12544xf32, #tpu.memory_space<hbm>> -> memref<1x12544xf32, #tpu.memory_space<hbm>>
    %dma_wait3A_54 = tpu.memref_squeeze %dma_wait3A_53 : memref<1x12544xf32, #tpu.memory_space<hbm>> -> memref<12544xf32, #tpu.memory_space<hbm>>
    %dma_wait3A_55 = arith.constant 0 : i32
    %dma_wait3A_56 = tpu.memref_slice %arg6[%dma_wait3A_51, %dma_wait3A_55] : memref<3072x12544xf32, #tpu.memory_space<hbm>> -> memref<1x12544xf32, #tpu.memory_space<hbm>>
    %dma_wait3A_57 = tpu.memref_squeeze %dma_wait3A_56 : memref<1x12544xf32, #tpu.memory_space<hbm>> -> memref<12544xf32, #tpu.memory_space<hbm>>
    tpu.wait_dma2 semaphore(%arg21 : memref<!tpu.dma_semaphore, #tpu.memory_space<semaphore_mem>>) src(%arg10 : memref<12544xf32, #tpu.memory_space<vmem>>) dst(%dma_wait3A_57 : memref<12544xf32, #tpu.memory_space<hbm>>)
    return
  }
}

</mosaic_0001>

<sc_bundles>
// kernel: _pwlu_sc.3.cloned.1.call-start
scs
__scs_entry_jumppad:
0x0: {  	(pc) =	sbr.rel $0x88, $3  }
0x1: {  	(tag) =	ssettag $0x0;
	lr =	simm.s32 $0x1  }
0x2: {  	[smem:$0x3F9D] =	sst lr;
	_ =	strace $0xD0000000  }
0x3: {  	_ = 	snop  }
0x4: {  	_ = 	snop  }
0x5: {  	_ = 	snop  }
0x6: {  	_ = 	snop  }
0x7: {  	_ = 	snop  }
__scs_overlays_trampoline_lowered:
0x8: {  	[smem:$0x3FAC] =	sst s0  }
0x9: {  	[smem:$0x3FAD] =	sst s1  }
0xa: {  	[smem:$0x3FAE] =	sst s2  }
0xb: {  	[smem:$0x3FAF] =	sst s3  }
0xc: {  	[smem:$0x3FB0] =	sst s4  }
0xd: {  	[smem:$0x3FB1] =	sst s5  }
0xe: {  	[smem:$0x3FB2] =	sst s6  }
0xf: {  	[smem:$0x3FB3] =	sst s7  }
0x10: {  	[smem:$0x3FB4] =	sst s8  }
0x11: {  	[smem:$0x3FB5] =	sst s9;
	s0 =	simm.s32 @!p0 $0x0  }
0x12: {  	s1 =	sld [smem:$0x3F9B];
	s0 =	simm.s32 @p0 $0x1  }
0x13: {  	[smem:$0x3FB6] =	sst s0;
	s0 =	simm.s32 @!p1 $0x0  }
0x14: {  	s2 =	sld [smem:$0x3F9A];
	s0 =	simm.s32 @p1 $0x1  }
0x15: {  	[smem:$0x3FB7] =	sst s0;
	s0 =	simm.s32 @!p2 $0x0  }
0x16: {  	s3 =	sld [smem:$0x3FDB];
	s0 =	simm.s32 @p2 $0x1  }
0x17: {  	s4 =	simm.s32 $0x1BF5;
	[smem:$0x3FB9] =	sst s0  }
0x18: {  	s0 =	sld [smem:$0x3F9C];
	_ =	swait.ge [sflag:s4], $0x0  }
0x19: {  	s7 =	sld [smem:$0x3F9D]  }
0x1a: {  	s8 =	sadd.s32 $0xFFFFE003, lr  }
0x1b: {  	s9 =	sadd.s32 $0xFFFFFEF7, lr;
	s5 =	simm.s32 $0xFFFFFFFF;
	p2 =	slt.u32 s8, $0xFFFFF086  }
0x1c: {  	p1 =	slt.u32 s9, $0xF7A;
	s5 =	simm.s32 @!p2 $0x0  }
0x1d: {  	s5 =	simm.s32 @p1 $0x1;
	p0 =	seq.s32 s7, s2  }
0x1e: {  	s7 =	smul.u32 @!p0 $0xF7A, s2;
	p2 =	seq.s32 @!p0 s5, $0x0  }
0x1f: {  	s9 =	smul.u32 $0xF7A, s1;
	s8 =	simm.s32 @!p0 $0x1BF5;
	p2 =	por !p2, p0  }
0x20: {  	[sflag:s8] =	ssyncset.s32 @!p0 $0xFFFFF086;
	s6 =	sadd.s32 @!p0 s3, s7;
	s7 =	simm.s32 @!p0 $0x108  }
0x21: {  	s3 =	sadd.s32 s3, s9;
	s6 =	sadd.s32 @!p0 $0x88, s6;
	s7 =	simm.s32 @p2 $0x1082  }
0x22: {  	[simem:s7], [sflag:s8] =	dma.local @!p0 [hbm:s6], $0xF7A  }
0x23: {  	s9 =	sor.u32 $0xD0000000, s2;
	s6 =	simm.s32 $0x108;
	_ =	swait.ge @!p0 [sflag:s8], $0x0  }
0x24: {  	s3 =	sadd.s32 $0x88, s3;
	s6 =	simm.s32 @!p1 $0x1082;
	[sflag:s4] =	ssyncset.s32 $0xFFFFF086  }
0x25: {  	[simem:s6], [sflag:s4] =	dma.local [hbm:s3], $0xF7A  }
0x26: {  	[smem:$0x3F9D] =	sst s1;
	(tag) =	ssettag s2;
	_ =	strace s9  }
0x27: {  	s1 =	sld [smem:$0x3FAD]  }
0x28: {  	s2 =	sld [smem:$0x3FAE]  }
0x29: {  	s4 =	sld [smem:$0x3FB0]  }
0x2a: {  	p0 =	seq.s32 s5, $0x0;
	s5 =	sld [smem:$0x3FB1]  }
0x2b: {  	s6 =	sld [smem:$0x3FB2]  }
0x2c: {  	s7 =	sld [smem:$0x3FB3]  }
0x2d: {  	s3 =	simm.s32 $0x108;
	s8 =	sld [smem:$0x3FB4]  }
0x2e: {  	s3 =	simm.s32 @!p0 $0x1082;
	s9 =	sld [smem:$0x3FB5]  }
0x2f: {  	lr =	sadd.s32 s0, s3;
	s0 =	sld [smem:$0x3FAC]  }
0x30: {  	s3 =	sld [smem:$0x3FAF]  }
0x31: {  	[smem:$0x3FB8] =	sst s10  }
0x32: {  	s10 =	sld [smem:$0x3FB6];
	_ =	sdelay $0x3  }
0x33: {  	p0 =	seq.s32 s10, $0x1;
	s10 =	sld [smem:$0x3FB8];
	_ =	sdelay $0x3  }
0x34: {  	[smem:$0x3FB8] =	sst s10  }
0x35: {  	s10 =	sld [smem:$0x3FB7];
	_ =	sdelay $0x3  }
0x36: {  	p1 =	seq.s32 s10, $0x1;
	s10 =	sld [smem:$0x3FB8];
	_ =	sdelay $0x3  }
0x37: {  	[smem:$0x3FB8] =	sst s10  }
0x38: {  	s10 =	sld [smem:$0x3FB9]  }
0x39: {  	_ = 	snop;
	(pc) =	sbr.ind lr, $3  }
0x3a: {  	_ = 	snop  }
0x3b: {  	_ = 	snop  }
0x3c: {  	p2 =	seq.s32 s10, $0x1;
	s10 =	sld [smem:$0x3FB8]  }
0x3d: {  	_ =	shalt  }
0x3e: {  	_ =	shalt  }
0x3f: {  	_ =	shalt  }
0x40: {  	_ =	shalt  }
0x41: {  	_ =	shalt  }
0x42: {  	_ =	shalt  }
0x43: {  	_ =	shalt  }
0x44: {  	_ =	shalt  }
0x45: {  	_ =	shalt  }
0x46: {  	_ =	shalt  }
0x47: {  	_ =	shalt  }
0x48: {  	_ =	shalt  }
0x49: {  	_ =	shalt  }
0x4a: {  	_ =	shalt  }
0x4b: {  	_ =	shalt  }
0x4c: {  	_ =	shalt  }
0x4d: {  	_ =	shalt  }
0x4e: {  	_ =	shalt  }
0x4f: {  	_ =	shalt  }
0x50: {  	_ =	shalt  }
0x51: {  	_ =	shalt  }
0x52: {  	_ =	shalt  }
0x53: {  	_ =	shalt  }
0x54: {  	_ =	shalt  }
0x55: {  	_ =	shalt  }
0x56: {  	_ =	shalt  }
0x57: {  	_ =	shalt  }
0x58: {  	_ =	shalt  }
0x59: {  	_ =	shalt  }
0x5a: {  	_ =	shalt  }
0x5b: {  	_ =	shalt  }
0x5c: {  	_ =	shalt  }
0x5d: {  	_ =	shalt  }
0x5e: {  	_ =	shalt  }
0x5f: {  	_ =	shalt  }
0x60: {  	_ =	shalt  }
0x61: {  	_ =	shalt  }
0x62: {  	_ =	shalt  }
0x63: {  	_ =	shalt  }
0x64: {  	_ =	shalt  }
0x65: {  	_ =	shalt  }
0x66: {  	_ =	shalt  }
0x67: {  	_ =	shalt  }
0x68: {  	_ =	shalt  }
0x69: {  	_ =	shalt  }
0x6a: {  	_ =	shalt  }
0x6b: {  	_ =	shalt  }
0x6c: {  	_ =	shalt  }
0x6d: {  	_ =	shalt  }
0x6e: {  	_ =	shalt  }
0x6f: {  	_ =	shalt  }
0x70: {  	_ =	shalt  }
0x71: {  	_ =	shalt  }
0x72: {  	_ =	shalt  }
0x73: {  	_ =	shalt  }
0x74: {  	_ =	shalt  }
0x75: {  	_ =	shalt  }
0x76: {  	_ =	shalt  }
0x77: {  	_ =	shalt  }
0x78: {  	_ =	shalt  }
0x79: {  	_ =	shalt  }
0x7a: {  	_ =	shalt  }
0x7b: {  	_ =	shalt  }
0x7c: {  	_ =	shalt  }
0x7d: {  	_ =	shalt  }
0x7e: {  	_ =	shalt  }
0x7f: {  	_ =	shalt  }
0x80: {  	_ =	shalt  }
0x81: {  	_ =	shalt  }
0x82: {  	_ =	shalt  }
0x83: {  	_ =	shalt  }
0x84: {  	_ =	shalt  }
0x85: {  	_ =	shalt  }
0x86: {  	_ =	shalt  }
0x87: {  	_ =	shalt  }
.Lfunc_end0:
.L_simem_size_0:
called_computation_lowered:
.L_overlay_start_0:
0x88: {  	s2 =	sld [smem:$0x3FD9]  }
0x89: {  	s3 =	sld [smem:$0x3FFE];
	_ =	sdelay $0x1  }
0x8a: {  	s1 =	srdreg.scid  }
0x8b: {  	s0 =	sand.u32 $0x1, s1  }
0x8c: {  	s17 =	sshll.u32 s0, $0xA;
	s2 =	sadd.s32 s3, s2  }
0x8d: {  	s2 =	sadd.s32 s2, s17  }
0x8e: {  	[smem:$0x3FC4] =	sst s2  }
0x8f: {  	_ = 	snop  }
0x90: {  	s2 =	sld [smem:$0x3FC9]  }
0x91: {  	s18 =	sld [smem:$0x3FC8]  }
0x92: {  	s4 =	sld [smem:$0x3FC7]  }
0x93: {  	s5 =	sld [smem:$0x3FD0];
	(tm) =	ssettm $0x1  }
0x94: {  	s6 =	sld [smem:$0x3FFB];
	_ =	sdelay $0x3  }
0x95: {  	_ =	strace s6  }
0x96: {  	s6 =	sld [smem:$0x3FFC];
	_ =	sdelay $0x3  }
0x97: {  	_ =	strace s6  }
0x98: {  	s6 =	sld [smem:$0x3FFD];
	_ =	sdelay $0x3  }
0x99: {  	_ =	strace s6  }
0x9a: {  	_ =	strace $0x8FFFFFFF  }
0x9b: {  	s19 =	sld [smem:$0x3FDB];
	_ =	sdelay $0x1  }
0x9c: {  	s7 =	simm.s32 $_scs_section_size  }
0x9d: {  	s8 =	simm.s32 $_size__tile_overlayer_lowered;
	s9 =	simm.s32 $_tile_overlayer_lowered  }
0x9e: {  	s22 =	simm.s32 $0x1BFF;
	s21 =	sshll.u32 s9, $0x1;
	s6 =	sadd.s32 s7, s19  }
0x9f: {  	s10 =	simm.s32 $0x0;
	s20 =	sshll.u32 s8, $0x1;
	s8 =	sadd.s32 s21, s6  }
0xa0: {  	[timem:s10], [sflag:s22] =	dma.local [hbm:s8], s20  }
0xa1: {  	_ =	swait.ge [sflag:s22], s20  }
0xa2: {  	s7 =	ssub.s32 $0x0, s20;
	[sflag:s22] =	ssyncset.done $0x0  }
0xa3: {  	[sflag:s22] =	ssyncadd.s32 s7;
	_ =	sdelay $0x1  }
0xa4: {  	s23 =	simm.s32 $0x1B8B  }
0xa5: {  	_ =	swait.ge [sflag:s23], $0x1  }
0xa6: {  	[sflag:s23] =	ssyncset.done $0x0  }
0xa7: {  	s25 =	simm.s32 $0x1B8E;
	s24 =	sld [smem:$0x3FFE];
	[sflag:s23] =	ssyncadd.s32 $0xFFFFFFFF  }
0xa8: {  	s26 =	simm.s32 $execute0_lowered;
	[smem:$0x3FD2] =	sst s25  }
0xa9: {  	s8 =	sshll.u32 s26, $0x1;
	_ =	strace $0x80000046;
	[dreg:$0x1] =	wrdreg $0xFFFFFFFF  }
0xaa: {  	s28 =	simm.s32 $_size_execute0_lowered;
	s6 =	sadd.s32 s6, s8;
	[dreg:$0x0] =	wrdreg $0x0  }
0xab: {  	s8 =	sshll.u32 s28, $0x1;
	[dreg:$0x2] =	wrdreg s6  }
0xac: {  	[dreg:$0x3] =	wrdreg s8  }
0xad: {  	[dreg:$0x4] =	wrdreg $0xC0  }
0xae: {  	_ =	task [dreg:s10], $0x5FFFF  }
0xaf: {  	[dreg:$0x1] =	wrdreg $0xFFFFFFFF  }
0xb0: {  	[dreg:$0x0] =	wrdreg $0x60  }
0xb1: {  	[dreg:$0x2] =	wrdreg s2  }
0xb2: {  	[dreg:$0x3] =	wrdreg s18  }
0xb3: {  	[dreg:$0x4] =	wrdreg s4  }
0xb4: {  	[dreg:$0x5] =	wrdreg s24  }
0xb5: {  	[dreg:$0x6] =	wrdreg s5  }
0xb6: {  	[dreg:$0x7] =	wrdreg $0x9  }
0xb7: {  	_ =	task.clear_ibuf [dreg:s10], $0x8FFFF;
	_ =	strace $0x90000046  }
0xb8: {  	s29 =	simm.s32 $0x9;
	_ =	strace $0x80000048  }
0xb9: {  	_ =	swait.ge [sflag:s29], $0x1  }
0xba: {  	[sflag:s29] =	ssyncadd.s32 $0xFFFFFFFF  }
0xbb: {  	_ =	strace $0x90000048  }
0xbc: {  	_ =	sfence  }
0xbd: {  	s30 =	sld [smem:$0x0];
	_ =	sdelay $0x2  }
0xbe: {  	s31 =	sshll.u32 s1, $0xD;
	s1 =	sshrl.u32 s1, $0x2  }
0xbf: {  	s3 =	sand.u32 $0x4000, s31;
	s1 =	sadd.s32 s1, s30  }
0xc0: {  	s0 =	sor.u32 s3, s0;
	s1 =	sshll.u32 s1, $0x11  }
0xc1: {  	s0 =	sor.u32 s1, s0  }
0xc2: {  	s0 =	sadd.s32 $0x8F2B, s0  }
0xc3: {  	[sflag:s0] =	ssyncadd.remote.s32 $0x1  }
0xc4: {  	_ =	sfence.sel $0xFFFF  }
0xc5: {  	[dreg:$0x0] =	wrdreg $0xFFFFFFFF;
	(pc) =	sbr.abs _section_cstart, $3  }
0xc6: {  	[dreg:$0x1] =	wrdreg $0xFFFFFFFF  }
0xc7: {  	_ =	task.clear_ibuf [dreg:s10], $0x2FFFF;
	_ =	strace $0x9FFFFFFF  }
0xc8: {  	(tm) =	ssettm $0x7FFFFFFF  }
0xc9: {  	_ =	shalt  }
tec
execute0_lowered:
.L_overlay_start_1:
0x0: {  	(tag) =	ssettag $0x1  }
0x1: {  	s1 =	rddreg [dreg:$0x0];
	s0 =	srdreg.scid  }
0x2: {  	s2 =	stileid.u32;
	s3 =	rddreg [dreg:$0x3]  }
0x3: {  	s6 =	rddreg [dreg:$0x4];
	s7 =	simm.s32 $0x0;
	s13 =	simm.s32 $0xC400  }
0x4: {  	s14 =	simm.s32 $0x9;
	s15 =	simm.s32 $0xCA00;
	s17 =	simm.s32 $0x80  }
0x5: {  	s18 =	simm.s32 $0x400;
	s0 =	sand.u32 $0x1, s0;
	s2 =	sshll.u32 s2, $0x1  }
0x6: {  	s19 =	simm.s32 $0x3100;
	s20 =	simm.s32 $0x6200;
	s2 =	sor.u32 s0, s2  }
0x7: {  	s21 =	simm.s32 $0x1;
	s22 =	simm.s32 $0x9300;
	s5 =	smul.u32 $0x60, s2  }
0x8: {  	s23 =	simm.s32 $0x2;
	[smem:$0x7FF] =	sst s7;
	s0 =	ssub.s32 $0x2, s0  }
0x9: {  	s3 =	sadd.s32 $0x400, s3;
	s4 =	sshrl.u32 s0, $0x1;
	s2 =	sshrl.u32 s5, $0x3  }
0xa: {  	_ =	strace $0x80000047;
	s0 =	ssub.s32 s0, s4;
	s2 =	smul.u32 $0x3100, s2  }
.Ltmp0:
0xb: {  	[dreg:$0x6] =	wrdreg s3;
	s0 =	smax.u32 s0, $0x1;
	(pc) =	sbr.rel .LBB2_1-.Ltmp0, $4  }
0xc: {  	s24 =	simm.s32 $0x3;
	[dreg:$0xa] =	wrdreg s0;
	s2 =	sadd.s32 s1, s2  }
0xd: {  	s25 =	simm.s32 $0x4;
	s28 =	sadd.s32 $0x10, s2;
	[dreg:$0x7] =	wrdreg s2  }
0xe: {  	s29 =	simm.s32 $0x7;
	s2 =	sadd.s32 $0x20, s2;
	[dreg:$0x8] =	wrdreg s28  }
0xf: {  	s30 =	simm.s32 $0x8;
	s31 =	simm.s32 $0x0;
	[dreg:$0x9] =	wrdreg s2  }
.LBB2_12:
0x10: {  	s0 =	simm.s32 $0x5  }
0x11: {  	_ =	swait.ge [sflag:s0], $0x3100  }
0x12: {  	[sflag:s0] =	ssyncset.done $0x0  }
0x13: {  	s26 =	simm.s32 $0x6;
	[sflag:s0] =	ssyncadd.s32 $0xFFFFCF00  }
0x14: {  	_ =	swait.ge [sflag:s26], $0x3100  }
0x15: {  	[sflag:s26] =	ssyncset.done $0x0  }
0x16: {  	[sflag:s26] =	ssyncadd.s32 $0xFFFFCF00  }
0x17: {  	_ =	swait.ge [sflag:s29], $0x3100  }
0x18: {  	[sflag:s29] =	ssyncset.done $0x0  }
0x19: {  	[sflag:s29] =	ssyncadd.s32 $0xFFFFCF00  }
0x1a: {  	_ =	swait.ge [sflag:s30], $0x3100  }
0x1b: {  	s31 =	sadd.s32 $0x1, s31;
	s28 =	rddreg [dreg:$0xa]  }
0x1c: {  	p0 =	sne.s32 s31, s28  }
.Ltmp1:
0x1d: {  	_ = 	snop;
	(pc) =	sbr.rel @!p0 .LBB2_13-.Ltmp1, $3  }
0x1e: {  	_ =	sdelay $0x1  }
0x1f: {  	[sflag:s30] =	ssyncset.done $0x0  }
0x20: {  	[sflag:s30] =	ssyncadd.s32 $0xFFFFCF00  }
.LBB2_1:
0x21: {  	s0 =	rddreg [dreg:$0x1]  }
0x22: {  	[tilespmem:s13], [sflag:$0x9] =	stream.linear.gather [hbm4b:s0+s7], $0x600, $0x38;
	[tilespmem:$0x19000] =	vst v63  }
0x23: {  	_ =	swait.ge [sflag:s14], $0x600  }
0x24: {  	[sflag:s14] =	ssyncset.done $0x0  }
0x25: {  	[sflag:s14] =	ssyncadd.s32 $0xFFFFFA00  }
0x26: {  	s11 =	rddreg [dreg:$0x2]  }
0x27: {  	[tilespmem:s15], [sflag:$0x9] =	stream.linear.gather [hbm4b:s11+s7], $0x600, $0x38;
	[tilespmem:$0x19000] =	vst v63  }
0x28: {  	_ =	swait.ge [sflag:s14], $0x600  }
0x29: {  	[sflag:s14] =	ssyncset.done $0x0  }
0x2a: {  	s2 =	simm.s32 $0xD000;
	s12 =	rddreg [dreg:$0x6];
	[sflag:s14] =	ssyncadd.s32 $0xFFFFFA00  }
0x2b: {  	[tilespmem:s2], [sflag:$0x9] =	stream.linear.gather [hbm4b:s12+s7], $0xC000, $0x38;
	[tilespmem:$0x19000] =	vst v63  }
0x2c: {  	_ =	swait.ge [sflag:s14], $0xC000  }
0x2d: {  	[sflag:s14] =	ssyncset.done $0x0  }
0x2e: {  	s16 =	rddreg [dreg:$0x7];
	[sflag:s14] =	ssyncadd.s32 $0xFFFF4000  }
0x2f: {  	[tilespmem:s7], [sflag:$0x1] =	stream.strided.gather [hbm4b:s16+s17], $0x3100, s18, s17, $0x38;
	[tilespmem:$0x19000] =	vst v63  }
0x30: {  	s26 =	rddreg [dreg:$0x8]  }
0x31: {  	[tilespmem:s19], [sflag:$0x2] =	stream.strided.gather [hbm4b:s26+s17], $0x3100, s18, s17, $0x38;
	[tilespmem:$0x19000] =	vst v63  }
0x32: {  	s3 =	simm.s32 $0x0;
	s28 =	rddreg [dreg:$0x9]  }
0x33: {  	[tilespmem:s20], [sflag:$0x3] =	stream.strided.gather [hbm4b:s28+s17], $0x3100, s18, s17, $0x38;
	[tilespmem:$0x19000] =	vst v63  }
.LBB2_2:
0x34: {  	s0 =	sshll.u32 s3, $0x2  }
0x35: {  	s2 =	sadd.s32 s5, s0  }
0x36: {  	s4 =	sshrl.u32 s2, $0x2  }
0x37: {  	s8 =	smulhi.u32 $0xAAAAAAB, s4;
	_ =	sdelay $0x1  }
0x38: {  	s8 =	sshrl.u32 s8, $0x2  }
0x39: {  	_ =	swait.ge [sflag:s21], $0x3100;
	s8 =	smul.u32 $0x60, s8  }
0x3a: {  	[sflag:s21] =	ssyncset.done $0x0  }
0x3b: {  	[sflag:s21] =	ssyncadd.s32 $0xFFFFCF00;
	s4 =	ssub.s32 s4, s8;
	s8 =	simm.s32 $0x40  }
0x3c: {  	v3 =	vld [tilespmem:s8+$0x0]  }
0x3d: {  	v4 =	vld [tilespmem:s8+$0xFFFFFFF0]  }
0x3e: {  	v6 =	vld [tilespmem:s8+$0x10]  }
0x3f: {  	s4 =	sshll.u32 s4, $0x7;
	v7 =	vld [tilespmem:s8+$0x20]  }
0x40: {  	v5 =	vld [tilespmem:s4+$0xD000]  }
0x41: {  	v8 =	vld [tilespmem:s8+$0xFFFFFFD0];
	s28 =	sor.u32 $0x10000, s4  }
0x42: {  	v2 =	vld [tilespmem:s28+$0x0]  }
0x43: {  	v9 =	vld [tilespmem:s8+$0xFFFFFFC0]  }
0x44: {  	v1 =	vld [tilespmem:s4+$0x13000]  }
0x45: {  	v0 =	vld [tilespmem:s4+$0x16000];
	s4 =	simm.s32 $0xC0;
	v3 =	vmul.f32 v3, v5  }
0x46: {  	v26 =	vld [tilespmem:s4+$0xFFFFFFC0]  }
0x47: {  	v8 =	vmul.f32 v8, v5;
	v10 =	vadd.f32 v3, v2;
	v3 =	vmul.f32 v4, v5  }
0x48: {  	v4 =	vmul.f32 v6, v5;
	v6 =	vmul.f32 v7, v5;
	v7 =	vld [tilespmem:s8+$0x30]  }
0x49: {  	v9 =	vmul.f32 v9, v5;
	v11 =	vmax.f32 v10, v1;
	v12 =	vadd.f32 v3, v2  }
0x4a: {  	v3 =	vld [tilespmem:s8+$0xFFFFFFE0];
	v31 =	vadd.f32 v4, v2;
	v4 =	vadd.f32 v6, v2;
	v11 =	vmin.f32 v11, v0  }
0x4b: {  	v27 =	vmul.f32 v26, v5;
	v6 =	vtrunc.f32 v11  }
0x4c: {  	v11 =	vmax.f32 v31, v1;
	v13 =	vmax.f32 v4, v1;
	v14 =	vcvt.f32.s32 v6  }
0x4d: {  	v6 =	vmax.f32 v12, v1;
	v15 =	vmul.f32 v7, v5;
	v11 =	vmin.f32 v11, v0  }
0x4e: {  	v7 =	vadd.f32 v9, v2;
	v17 =	vtrunc.f32 v11;
	v6 =	vmin.f32 v6, v0  }
0x4f: {  	v9 =	vmul.f32 v3, v5;
	v3 =	vmin.f32 v13, v0;
	v24 =	vcvt.s32.f32 v14  }
0x50: {  	v16 =	vld [tilespmem:s4+$0xFFFFFFD0];
	v11 =	vmax.f32 v7, v1;
	v26 =	vcvt.f32.s32 v17;
	v3 =	vtrunc.f32 v3  }
0x51: {  	v25 =	vld [tilespmem:s4+$0x20];
	v19 =	vcvt.f32.s32 v3;
	v3 =	vtrunc.f32 v6;
	v6 =	vmin.f32 v11, v0  }
0x52: {  	v13 =	vld [tilespmem:s4+$0xFFFFFFF0];
	v29 =	vcvt.f32.s32 v3;
	v11 =	vtrunc.f32 v6;
	v6 =	vadd.f32 v8, v2  }
0x53: {  	v20 =	vld [tilespmem:s4+$0x0];
	v3 =	vadd.f32 v15, v2;
	v15 =	vcvt.s32.f32 v19;
	v22 =	vcvt.f32.s32 v11  }
0x54: {  	v39 =	vcvt.s32.f32 v26;
	v8 =	vld.idx.msk [tilespmem:v14+s15+$0x0], $0xffff;
	v23 =	vcvt.s32.f32 v29;
	v11 =	vmax.f32 v6, v1  }
0x55: {  	v21 =	vld [tilespmem:s4+$0x10];
	v15 =	vsub.f32 v4, v15;
	v4 =	vmin.f32 v11, v0;
	v18 =	vcvt.s32.f32 v22  }
0x56: {  	v11 =	vmul.f32 v16, v5;
	v16 =	vsub.f32 v10, v24;
	v4 =	vtrunc.f32 v4  }
0x57: {  	v36 =	vld [tilespmem:s4+$0xFFFFFFE0];
	v10 =	vsub.f32 v12, v23;
	v12 =	vmul.f32 v13, v5;
	v23 =	vmul.f32 v25, v5  }
0x58: {  	v37 =	vld.idx.msk [tilespmem:v14+s13+$0x0], $0xffff;
	v31 =	vsub.f32 v31, v39;
	v13 =	vcvt.f32.s32 v4;
	v4 =	vmul.f32 v20, v5  }
0x59: {  	v25 =	vld [tilespmem:s4+$0x30];
	v20 =	vadd.f32 v9, v2;
	v9 =	vmax.f32 v3, v1;
	v32 =	vmul.f32 v16, v8  }
0x5a: {  	v16 =	vmul.f32 v21, v5;
	v8 =	vadd.f32 v12, v2;
	v30 =	vmin.f32 v9, v0  }
0x5b: {  	v24 =	vld.idx.msk [tilespmem:v19+s15+$0x0], $0xffff;
	v12 =	vmax.f32 v20, v1;
	v9 =	vadd.f32 v4, v2;
	v34 =	vtrunc.f32 v30  }
0x5c: {  	v21 =	vld.idx.msk [tilespmem:v22+s15+$0x0], $0xffff;
	v12 =	vmin.f32 v12, v0;
	v28 =	vmax.f32 v8, v1;
	v4 =	vadd.f32 v16, v2  }
0x5d: {  	v16 =	vadd.f32 v23, v2;
	v23 =	vld.idx.msk [tilespmem:v22+s13+$0x0], $0xffff;
	v22 =	vmul.f32 v36, v5;
	v32 =	vadd.f32 v32, v37  }
0x5e: {  	v33 =	vld.idx.msk [tilespmem:v19+s13+$0x0], $0xffff;
	v14 =	vmax.f32 v9, v1;
	v12 =	vtrunc.f32 v12;
	v38 =	vmul.f32 v25, v5  }
0x5f: {  	v25 =	vld.idx.msk [tilespmem:v29+s13+$0x0], $0xffff;
	v14 =	vmin.f32 v14, v0;
	v17 =	vmax.f32 v4, v1;
	v35 =	vmax.f32 v16, v1  }
0x60: {  	v29 =	vld.idx.msk [tilespmem:v29+s15+$0x0], $0xffff;
	v30 =	vcvt.f32.s32 v12;
	v12 =	vtrunc.f32 v14;
	v17 =	vmin.f32 v17, v0  }
0x61: {  	s10 =	simm.s32 $0x8;
	s11 =	simm.s32 $0x140;
	v19 =	vld.idx.msk [tilespmem:v13+s13+$0x0], $0xffff;
	v14 =	vcvt.f32.s32 v12;
	v12 =	vadd.f32 v38, v2;
	v17 =	vtrunc.f32 v17  }
.LBB2_3:
0x62: {  	s10 =	sadd.s32 $0x8, s10;
	v35 =	vmin.f32 v35, v0;
	v36 =	vcvt.s32.f32 v30;
	v37 =	vld.idx.msk [tilespmem:v26+s15+$0x0], $0xffff;
	v34 =	vcvt.f32.s32 v34  }
0x63: {  	v28 =	vmin.f32 v28, v0;
	v15 =	vmul.f32 v15, v24;
	p0 =	slt.u32 s10, $0x308;
	v35 =	vtrunc.f32 v35;
	v38 =	vld.idx.msk [tilespmem:v13+s15+$0x0], $0xffff;
	[tilespmem:s8+$0x0] =	vst v32  }
0x64: {  	v24 =	vadd.f32 v27, v2;
	v32 =	vcvt.f32.s32 v35;
	v27 =	vld.idx.msk [tilespmem:v30+s13+$0x0], $0xffff;
	v35 =	vcvt.s32.f32 v34  }
0x65: {  	v18 =	vsub.f32 v7, v18;
	v28 =	vtrunc.f32 v28;
	v15 =	vadd.f32 v15, v33;
	v30 =	vld.idx.msk [tilespmem:v30+s15+$0x0], $0xffff  }
0x66: {  	v39 =	vcvt.f32.s32 v28;
	v20 =	vsub.f32 v20, v36;
	v7 =	vmovc v24;
	v28 =	vcvt.s32.f32 v32;
	v26 =	vld.idx.msk [tilespmem:v26+s13+$0x0], $0xffff  }
0x67: {  	v18 =	vmul.f32 v18, v21;
	v24 =	vmax.f32 v7, v1;
	v21 =	vmul.f32 v10, v29;
	v33 =	vld [tilespmem:s11+$0xFFFFFFF0];
	[tilespmem:s8+$0x20] =	vst v15  }
0x68: {  	v10 =	vmin.f32 v24, v0;
	v24 =	vcvt.s32.f32 v39;
	v29 =	vmul.f32 v31, v37;
	v31 =	vld.idx.msk [tilespmem:v34+s13+$0x0], $0xffff  }
0x69: {  	v13 =	vcvt.s32.f32 v13;
	v15 =	vsub.f32 v16, v28;
	v16 =	vadd.f32 v18, v23;
	v23 =	vld.idx.msk [tilespmem:v34+s15+$0x0], $0xffff  }
0x6a: {  	v18 =	vtrunc.f32 v10;
	v10 =	vsub.f32 v8, v24;
	v8 =	vadd.f32 v21, v25;
	v28 =	vld [tilespmem:s11+$0xFFFFFFD0]  }
0x6b: {  	v13 =	vsub.f32 v6, v13;
	v6 =	vadd.f32 v11, v2;
	v34 =	vcvt.f32.s32 v18;
	v25 =	vld [tilespmem:s11+$0x10];
	[tilespmem:s8+$0xFFFFFFC0] =	vst v16  }
0x6c: {  	v20 =	vmul.f32 v20, v30;
	v16 =	vld.idx.msk [tilespmem:v14+s15+$0x0], $0xffff;
	[tilespmem:s8+$0xFFFFFFF0] =	vst v8;
	v8 =	vadd.f32 v29, v26  }
0x6d: {  	v11 =	vmax.f32 v6, v1;
	v13 =	vmul.f32 v13, v38;
	v24 =	vsub.f32 v3, v35;
	v3 =	vmovc v12;
	v21 =	vld [tilespmem:s11+$0x0]  }
0x6e: {  	v30 =	vmax.f32 v3, v1;
	v26 =	vmin.f32 v11, v0;
	v29 =	vcvt.s32.f32 v14;
	v12 =	vld [tilespmem:s11+$0x20];
	[tilespmem:s8+$0x10] =	vst v8  }
0x6f: {  	v18 =	vcvt.s32.f32 v34;
	v8 =	vadd.f32 v13, v19;
	v19 =	vmul.f32 v24, v23;
	v35 =	vld [tilespmem:s11+$0xFFFFFFC0]  }
0x70: {  	v13 =	vtrunc.f32 v26;
	v9 =	vsub.f32 v9, v29;
	v11 =	vmul.f32 v28, v5;
	v24 =	vld.idx.msk [tilespmem:v32+s15+$0x0], $0xffff  }
0x71: {  	v23 =	vmul.f32 v33, v5;
	v13 =	vcvt.f32.s32 v13;
	[tilespmem:s8+$0xFFFFFFD0] =	vst v8;
	v8 =	vadd.f32 v20, v27  }
0x72: {  	v20 =	vadd.f32 v22, v2;
	v36 =	vmul.f32 v9, v16;
	v26 =	vmul.f32 v21, v5;
	v21 =	vld.idx.msk [tilespmem:v34+s15+$0x0], $0xffff  }
0x73: {  	v19 =	vadd.f32 v19, v31;
	v16 =	vmul.f32 v25, v5;
	v12 =	vmul.f32 v12, v5;
	v22 =	vld [tilespmem:s11+$0x30];
	[tilespmem:s8+$0xFFFFFFE0] =	vst v8  }
0x74: {  	v29 =	vmin.f32 v30, v0;
	v8 =	vadd.f32 v23, v2;
	v25 =	vmax.f32 v20, v1;
	v23 =	vld.idx.msk [tilespmem:v34+s13+$0x0], $0xffff  }
0x75: {  	v27 =	vmul.f32 v35, v5;
	v9 =	vadd.f32 v26, v2;
	v25 =	vmin.f32 v25, v0;
	v31 =	vld [tilespmem:s11+$0xFFFFFFE0];
	[tilespmem:s8+$0x30] =	vst v19;
	s8 =	smov.u32 s4;
	s4 =	smov.u32 s11  }
0x76: {  	v37 =	vadd.f32 v16, v2;
	v28 =	vmax.f32 v8, v1;
	v16 =	vadd.f32 v12, v2;
	v38 =	vld.idx.msk [tilespmem:v14+s13+$0x0], $0xffff  }
0x77: {  	v26 =	vcvt.f32.s32 v17;
	v34 =	vtrunc.f32 v29;
	v12 =	vmax.f32 v9, v1  }
.Ltmp2:
0x78: {  	v17 =	vtrunc.f32 v25;
	v14 =	vmax.f32 v37, v1;
	v12 =	vmin.f32 v12, v0;
	(pc) =	sbr.rel @p0 .LBB2_3-.Ltmp2, $4  }
0x79: {  	v30 =	vcvt.f32.s32 v17;
	v35 =	vmax.f32 v16, v1;
	v19 =	vmul.f32 v22, v5;
	v25 =	vld.idx.msk [tilespmem:v39+s13+$0x0], $0xffff  }
0x7a: {  	v40 =	vcvt.s32.f32 v26;
	v17 =	vmin.f32 v14, v0;
	v12 =	vtrunc.f32 v12;
	v33 =	vld.idx.msk [tilespmem:v32+s13+$0x0], $0xffff  }
0x7b: {  	v14 =	vcvt.f32.s32 v12;
	v22 =	vmul.f32 v31, v5;
	v12 =	vadd.f32 v19, v2;
	v29 =	vld.idx.msk [tilespmem:v39+s15+$0x0], $0xffff  }
0x7c: {  	s11 =	sadd.s32 $0x80, s11;
	v17 =	vtrunc.f32 v17;
	v31 =	vsub.f32 v4, v40;
	v4 =	vmovc v37;
	v32 =	vadd.f32 v36, v38;
	v19 =	vld.idx.msk [tilespmem:v13+s13+$0x0], $0xffff  }
0x7d: {  	_ =	sdelay $0x2  }
0x7e: {  	v5 =	vadd.f32 v27, v2  }
0x7f: {  	v27 =	vcvt.f32.s32 v34;
	v55 =	vmin.f32 v35, v0;
	v15 =	vmul.f32 v15, v24;
	v24 =	vld.idx.msk [tilespmem:v13+s15+$0x0], $0xffff  }
0x80: {  	v56 =	vcvt.s32.f32 v30;
	v7 =	vsub.f32 v7, v18;
	v18 =	vld.idx.msk [tilespmem:v30+s13+$0x0], $0xffff;
	v28 =	vmin.f32 v28, v0  }
0x81: {  	v30 =	vld.idx.msk [tilespmem:v30+s15+$0x0], $0xffff;
	v11 =	vadd.f32 v11, v2;
	v13 =	vcvt.s32.f32 v13;
	v17 =	vcvt.f32.s32 v17  }
0x82: {  	v2 =	vadd.f32 v22, v2;
	v34 =	vtrunc.f32 v55;
	v28 =	vtrunc.f32 v28  }
0x83: {  	v36 =	vld.idx.msk [tilespmem:v26+s15+$0x0], $0xffff;
	v37 =	vmax.f32 v5, v1;
	v34 =	vcvt.f32.s32 v34;
	v15 =	vadd.f32 v15, v33  }
0x84: {  	v26 =	vld.idx.msk [tilespmem:v26+s13+$0x0], $0xffff;
	v58 =	vcvt.s32.f32 v27;
	v28 =	vcvt.f32.s32 v28;
	v20 =	vsub.f32 v20, v56  }
0x85: {  	v60 =	vld.idx.msk [tilespmem:v14+s15+$0x0], $0xffff;
	v7 =	vmul.f32 v7, v21;
	v6 =	vsub.f32 v6, v13;
	v37 =	vmin.f32 v37, v0  }
0x86: {  	v10 =	vmul.f32 v10, v29;
	v29 =	vmax.f32 v11, v1;
	v20 =	vmul.f32 v20, v30;
	v30 =	vld.idx.msk [tilespmem:v14+s13+$0x0], $0xffff  }
0x87: {  	v37 =	vtrunc.f32 v37;
	v29 =	vmin.f32 v29, v0;
	v6 =	vmul.f32 v6, v24;
	v21 =	vld.idx.msk [tilespmem:v27+s13+$0x0], $0xffff  }
0x88: {  	v57 =	vcvt.f32.s32 v37;
	v22 =	vtrunc.f32 v29;
	v29 =	vmax.f32 v2, v1;
	v27 =	vld.idx.msk [tilespmem:v27+s15+$0x0], $0xffff  }
0x89: {  	v7 =	vadd.f32 v7, v23;
	v29 =	vmin.f32 v29, v0;
	v6 =	vadd.f32 v6, v19;
	v19 =	vld.idx.msk [tilespmem:v17+s15+$0x0], $0xffff  }
0x8a: {  	v1 =	vmax.f32 v12, v1;
	v22 =	vcvt.f32.s32 v22;
	v29 =	vtrunc.f32 v29;
	v23 =	vld.idx.msk [tilespmem:v34+s15+$0x0], $0xffff  }
0x8b: {  	v14 =	vcvt.s32.f32 v14;
	v0 =	vmin.f32 v1, v0;
	v1 =	vcvt.f32.s32 v29;
	v29 =	vld.idx.msk [tilespmem:v28+s13+$0x0], $0xffff  }
0x8c: {  	[tilespmem:s8+$0x20] =	vst v15;
	v3 =	vsub.f32 v3, v58;
	v31 =	vmul.f32 v31, v36;
	v15 =	vld.idx.msk [tilespmem:v34+s13+$0x0], $0xffff  }
0x8d: {  	[tilespmem:s8+$0x0] =	vst v32;
	v10 =	vadd.f32 v10, v25;
	v0 =	vtrunc.f32 v0;
	v9 =	vsub.f32 v9, v14;
	v14 =	vld.idx.msk [tilespmem:v28+s15+$0x0], $0xffff  }
0x8e: {  	v59 =	vcvt.s32.f32 v34;
	[tilespmem:s8+$0xFFFFFFC0] =	vst v7;
	v7 =	vadd.f32 v31, v26;
	v0 =	vcvt.f32.s32 v0;
	v25 =	vld.idx.msk [tilespmem:v57+s15+$0x0], $0xffff  }
0x8f: {  	v24 =	vcvt.s32.f32 v28;
	[tilespmem:s8+$0xFFFFFFF0] =	vst v10;
	v13 =	vld.idx.msk [tilespmem:v57+s13+$0x0], $0xffff;
	v3 =	vmul.f32 v3, v27  }
0x90: {  	v18 =	vadd.f32 v20, v18;
	[tilespmem:s8+$0x10] =	vst v7;
	v7 =	vcvt.s32.f32 v57;
	v9 =	vmul.f32 v9, v60;
	v10 =	vld.idx.msk [tilespmem:v22+s13+$0x0], $0xffff  }
0x91: {  	v16 =	vsub.f32 v16, v59;
	[tilespmem:s8+$0xFFFFFFD0] =	vst v6;
	v6 =	vcvt.s32.f32 v17;
	v20 =	vld.idx.msk [tilespmem:v22+s15+$0x0], $0xffff;
	v3 =	vadd.f32 v3, v21  }
0x92: {  	[tilespmem:s8+$0xFFFFFFE0] =	vst v18;
	v18 =	vcvt.s32.f32 v1;
	v9 =	vadd.f32 v9, v30;
	v5 =	vsub.f32 v5, v7;
	v7 =	vld.idx.msk [tilespmem:v1+s15+$0x0], $0xffff  }
0x93: {  	v8 =	vsub.f32 v8, v24;
	[tilespmem:s8+$0x30] =	vst v3;
	v3 =	vmul.f32 v16, v23;
	v16 =	vld.idx.msk [tilespmem:v17+s13+$0x0], $0xffff;
	v17 =	vcvt.s32.f32 v22  }
0x94: {  	v4 =	vsub.f32 v4, v6;
	v6 =	vcvt.s32.f32 v0;
	[tilespmem:s4+$0x0] =	vst v9;
	v9 =	vld.idx.msk [tilespmem:v0+s15+$0x0], $0xffff;
	v5 =	vmul.f32 v5, v25  }
0x95: {  	v8 =	vmul.f32 v8, v14;
	v1 =	vld.idx.msk [tilespmem:v1+s13+$0x0], $0xffff;
	v3 =	vadd.f32 v3, v15;
	v11 =	vsub.f32 v11, v17  }
0x96: {  	v2 =	vsub.f32 v2, v18;
	v4 =	vmul.f32 v4, v19;
	v0 =	vld.idx.msk [tilespmem:v0+s13+$0x0], $0xffff;
	v5 =	vadd.f32 v5, v13  }
0x97: {  	v6 =	vsub.f32 v12, v6;
	[tilespmem:s4+$0x20] =	vst v3;
	v3 =	vadd.f32 v8, v29;
	v8 =	vmul.f32 v11, v20  }
0x98: {  	s2 =	sshrl.u32 s2, $0x3;
	v2 =	vmul.f32 v2, v7;
	[tilespmem:s4+$0xFFFFFFC0] =	vst v5;
	v4 =	vadd.f32 v4, v16  }
0x99: {  	s9 =	sshll.u32 s3, $0x9;
	s2 =	smul.u32 $0x18800, s2;
	v5 =	vmul.f32 v6, v9;
	[tilespmem:s4+$0xFFFFFFF0] =	vst v3;
	v3 =	vadd.f32 v8, v10  }
0x9a: {  	s8 =	sand.u32 $0x200, s9;
	v1 =	vadd.f32 v2, v1;
	[tilespmem:s4+$0x10] =	vst v4  }
0x9b: {  	s2 =	sor.u32 s8, s2;
	v0 =	vadd.f32 v5, v0;
	[tilespmem:s4+$0xFFFFFFD0] =	vst v3  }
0x9c: {  	s10 =	sor.u32 $0x3, s0;
	s2 =	sshrl.u32 s2, $0x3;
	[tilespmem:s4+$0xFFFFFFE0] =	vst v1  }
0x9d: {  	s2 =	sadd.s32 s6, s2;
	[tilespmem:s4+$0x30] =	vst v0;
	s4 =	sadd.s32 s5, s10  }
0x9e: {  	[hbm4b:s2+s17] =	stream.strided.scatter [tilespmem:s7], [sflag:$0x5], $0x3100, s18, s17, $0x38;
	[tilespmem:$0x19000] =	vst v63  }
0x9f: {  	s11 =	sshrl.u32 s4, $0x3  }
0xa0: {  	p0 =	seq.s32 s3, $0x0;
	s2 =	sshll.u32 s10, $0x7;
	s8 =	smul.u32 $0x18800, s11  }
0xa1: {  	s9 =	simm.s32 @!p0 $0x8;
	s2 =	sand.u32 $0x380, s2  }
0xa2: {  	s16 =	sor.u32 $0x1, s0;
	_ =	swait.ge @!p0 [sflag:s9], $0x3100;
	s2 =	sor.u32 s2, s8  }
0xa3: {  	[sflag:s9] =	ssyncset.done @!p0 $0x0;
	s8 =	sadd.s32 s5, s16;
	s2 =	sshrl.u32 s2, $0x3  }
0xa4: {  	[sflag:s9] =	ssyncadd.s32 @!p0 $0xFFFFCF00;
	s10 =	sshrl.u32 s8, $0x2;
	s12 =	sadd.s32 s1, s2  }
0xa5: {  	[tilespmem:s22], [sflag:$0x4] =	stream.strided.gather [hbm4b:s12+s17], $0x3100, s18, s17, $0x38;
	[tilespmem:$0x19000] =	vst v63  }
0xa6: {  	s11 =	smulhi.u32 $0xAAAAAAB, s10;
	_ =	swait.ge [sflag:s23], $0x3100  }
0xa7: {  	[sflag:s23] =	ssyncset.done $0x0  }
0xa8: {  	s26 =	sshrl.u32 s11, $0x2;
	s11 =	simm.s32 $0x3140;
	[sflag:s23] =	ssyncadd.s32 $0xFFFFCF00  }
0xa9: {  	s9 =	smul.u32 $0x60, s26;
	v3 =	vld [tilespmem:s11+$0x0]  }
0xaa: {  	v4 =	vld [tilespmem:s11+$0xFFFFFFF0]  }
0xab: {  	s9 =	ssub.s32 s10, s9;
	v6 =	vld [tilespmem:s11+$0x10]  }
0xac: {  	v7 =	vld [tilespmem:s11+$0x20];
	s9 =	sshll.u32 s9, $0x7  }
0xad: {  	v5 =	vld [tilespmem:s9+$0xD000]  }
0xae: {  	v8 =	vld [tilespmem:s11+$0xFFFFFFD0];
	s28 =	sor.u32 $0x10000, s9  }
0xaf: {  	v2 =	vld [tilespmem:s28+$0x0]  }
0xb0: {  	v9 =	vld [tilespmem:s11+$0xFFFFFFC0]  }
0xb1: {  	v1 =	vld [tilespmem:s9+$0x13000]  }
0xb2: {  	s10 =	simm.s32 $0x31C0;
	v0 =	vld [tilespmem:s9+$0x16000];
	v3 =	vmul.f32 v3, v5  }
0xb3: {  	v26 =	vld [tilespmem:s10+$0xFFFFFFC0]  }
0xb4: {  	v8 =	vmul.f32 v8, v5;
	v10 =	vadd.f32 v3, v2;
	v3 =	vmul.f32 v4, v5  }
0xb5: {  	v4 =	vmul.f32 v6, v5;
	v6 =	vmul.f32 v7, v5;
	v7 =	vld [tilespmem:s11+$0x30]  }
0xb6: {  	v9 =	vmul.f32 v9, v5;
	v11 =	vmax.f32 v10, v1;
	v12 =	vadd.f32 v3, v2  }
0xb7: {  	v3 =	vld [tilespmem:s11+$0xFFFFFFE0];
	v31 =	vadd.f32 v4, v2;
	v4 =	vadd.f32 v6, v2;
	v11 =	vmin.f32 v11, v0  }
0xb8: {  	v27 =	vmul.f32 v26, v5;
	v6 =	vtrunc.f32 v11  }
0xb9: {  	v11 =	vmax.f32 v31, v1;
	v13 =	vmax.f32 v4, v1;
	v14 =	vcvt.f32.s32 v6  }
0xba: {  	v6 =	vmax.f32 v12, v1;
	v15 =	vmul.f32 v7, v5;
	v11 =	vmin.f32 v11, v0  }
0xbb: {  	v7 =	vadd.f32 v9, v2;
	v17 =	vtrunc.f32 v11;
	v6 =	vmin.f32 v6, v0  }
0xbc: {  	v9 =	vmul.f32 v3, v5;
	v3 =	vmin.f32 v13, v0;
	v24 =	vcvt.s32.f32 v14  }
0xbd: {  	v16 =	vld [tilespmem:s10+$0xFFFFFFD0];
	v11 =	vmax.f32 v7, v1;
	v26 =	vcvt.f32.s32 v17;
	v3 =	vtrunc.f32 v3  }
0xbe: {  	v25 =	vld [tilespmem:s10+$0x20];
	v19 =	vcvt.f32.s32 v3;
	v3 =	vtrunc.f32 v6;
	v6 =	vmin.f32 v11, v0  }
0xbf: {  	v13 =	vld [tilespmem:s10+$0xFFFFFFF0];
	v29 =	vcvt.f32.s32 v3;
	v11 =	vtrunc.f32 v6;
	v6 =	vadd.f32 v8, v2  }
0xc0: {  	v20 =	vld [tilespmem:s10+$0x0];
	v3 =	vadd.f32 v15, v2;
	v15 =	vcvt.s32.f32 v19;
	v22 =	vcvt.f32.s32 v11  }
0xc1: {  	v39 =	vcvt.s32.f32 v26;
	v8 =	vld.idx.msk [tilespmem:v14+s15+$0x0], $0xffff;
	v23 =	vcvt.s32.f32 v29;
	v11 =	vmax.f32 v6, v1  }
0xc2: {  	v21 =	vld [tilespmem:s10+$0x10];
	v15 =	vsub.f32 v4, v15;
	v4 =	vmin.f32 v11, v0;
	v18 =	vcvt.s32.f32 v22  }
0xc3: {  	v11 =	vmul.f32 v16, v5;
	v16 =	vsub.f32 v10, v24;
	v4 =	vtrunc.f32 v4  }
0xc4: {  	v62 =	vld [tilespmem:s10+$0xFFFFFFE0];
	v10 =	vsub.f32 v12, v23;
	v12 =	vmul.f32 v13, v5;
	v23 =	vmul.f32 v25, v5  }
0xc5: {  	v63 =	vld.idx.msk [tilespmem:v14+s13+$0x0], $0xffff;
	v31 =	vsub.f32 v31, v39;
	v13 =	vcvt.f32.s32 v4;
	v4 =	vmul.f32 v20, v5  }
0xc6: {  	v25 =	vld [tilespmem:s10+$0x30];
	v20 =	vadd.f32 v9, v2;
	v9 =	vmax.f32 v3, v1;
	v61 =	vmul.f32 v16, v8  }
0xc7: {  	v16 =	vmul.f32 v21, v5;
	v8 =	vadd.f32 v12, v2;
	v30 =	vmin.f32 v9, v0  }
0xc8: {  	v24 =	vld.idx.msk [tilespmem:v19+s15+$0x0], $0xffff;
	v12 =	vmax.f32 v20, v1;
	v9 =	vadd.f32 v4, v2;
	v34 =	vtrunc.f32 v30  }
0xc9: {  	v21 =	vld.idx.msk [tilespmem:v22+s15+$0x0], $0xffff;
	v12 =	vmin.f32 v12, v0;
	v28 =	vmax.f32 v8, v1;
	v4 =	vadd.f32 v16, v2  }
0xca: {  	v16 =	vadd.f32 v23, v2;
	v23 =	vld.idx.msk [tilespmem:v22+s13+$0x0], $0xffff;
	v22 =	vmul.f32 v62, v5;
	v32 =	vadd.f32 v61, v63  }
0xcb: {  	v33 =	vld.idx.msk [tilespmem:v19+s13+$0x0], $0xffff;
	v14 =	vmax.f32 v9, v1;
	v12 =	vtrunc.f32 v12;
	v38 =	vmul.f32 v25, v5  }
0xcc: {  	v25 =	vld.idx.msk [tilespmem:v29+s13+$0x0], $0xffff;
	v14 =	vmin.f32 v14, v0;
	v17 =	vmax.f32 v4, v1;
	v35 =	vmax.f32 v16, v1  }
0xcd: {  	v29 =	vld.idx.msk [tilespmem:v29+s15+$0x0], $0xffff;
	v30 =	vcvt.f32.s32 v12;
	v12 =	vtrunc.f32 v14;
	v17 =	vmin.f32 v17, v0  }
0xce: {  	s12 =	simm.s32 $0x8;
	s9 =	simm.s32 $0x3240;
	v19 =	vld.idx.msk [tilespmem:v13+s13+$0x0], $0xffff;
	v14 =	vcvt.f32.s32 v12;
	v12 =	vadd.f32 v38, v2;
	v17 =	vtrunc.f32 v17  }
.LBB2_5:
0xcf: {  	s12 =	sadd.s32 $0x8, s12;
	v35 =	vmin.f32 v35, v0;
	v36 =	vcvt.s32.f32 v30;
	v37 =	vld.idx.msk [tilespmem:v26+s15+$0x0], $0xffff;
	v34 =	vcvt.f32.s32 v34  }
0xd0: {  	v28 =	vmin.f32 v28, v0;
	v15 =	vmul.f32 v15, v24;
	p0 =	slt.u32 s12, $0x308;
	v35 =	vtrunc.f32 v35;
	v38 =	vld.idx.msk [tilespmem:v13+s15+$0x0], $0xffff;
	[tilespmem:s11+$0x0] =	vst v32  }
0xd1: {  	v24 =	vadd.f32 v27, v2;
	v32 =	vcvt.f32.s32 v35;
	v27 =	vld.idx.msk [tilespmem:v30+s13+$0x0], $0xffff;
	v35 =	vcvt.s32.f32 v34  }
0xd2: {  	v18 =	vsub.f32 v7, v18;
	v28 =	vtrunc.f32 v28;
	v15 =	vadd.f32 v15, v33;
	v30 =	vld.idx.msk [tilespmem:v30+s15+$0x0], $0xffff  }
0xd3: {  	v39 =	vcvt.f32.s32 v28;
	v20 =	vsub.f32 v20, v36;
	v7 =	vmovc v24;
	v28 =	vcvt.s32.f32 v32;
	v26 =	vld.idx.msk [tilespmem:v26+s13+$0x0], $0xffff  }
0xd4: {  	v18 =	vmul.f32 v18, v21;
	v24 =	vmax.f32 v7, v1;
	v21 =	vmul.f32 v10, v29;
	v33 =	vld [tilespmem:s9+$0xFFFFFFF0];
	[tilespmem:s11+$0x20] =	vst v15  }
0xd5: {  	v10 =	vmin.f32 v24, v0;
	v24 =	vcvt.s32.f32 v39;
	v29 =	vmul.f32 v31, v37;
	v31 =	vld.idx.msk [tilespmem:v34+s13+$0x0], $0xffff  }
0xd6: {  	v13 =	vcvt.s32.f32 v13;
	v15 =	vsub.f32 v16, v28;
	v16 =	vadd.f32 v18, v23;
	v23 =	vld.idx.msk [tilespmem:v34+s15+$0x0], $0xffff  }
0xd7: {  	v18 =	vtrunc.f32 v10;
	v10 =	vsub.f32 v8, v24;
	v8 =	vadd.f32 v21, v25;
	v28 =	vld [tilespmem:s9+$0xFFFFFFD0]  }
0xd8: {  	v13 =	vsub.f32 v6, v13;
	v6 =	vadd.f32 v11, v2;
	v34 =	vcvt.f32.s32 v18;
	v25 =	vld [tilespmem:s9+$0x10];
	[tilespmem:s11+$0xFFFFFFC0] =	vst v16  }
0xd9: {  	v20 =	vmul.f32 v20, v30;
	v16 =	vld.idx.msk [tilespmem:v14+s15+$0x0], $0xffff;
	[tilespmem:s11+$0xFFFFFFF0] =	vst v8;
	v8 =	vadd.f32 v29, v26  }
0xda: {  	v11 =	vmax.f32 v6, v1;
	v13 =	vmul.f32 v13, v38;
	v24 =	vsub.f32 v3, v35;
	v3 =	vmovc v12;
	v21 =	vld [tilespmem:s9+$0x0]  }
0xdb: {  	v30 =	vmax.f32 v3, v1;
	v26 =	vmin.f32 v11, v0;
	v29 =	vcvt.s32.f32 v14;
	v12 =	vld [tilespmem:s9+$0x20];
	[tilespmem:s11+$0x10] =	vst v8  }
0xdc: {  	v18 =	vcvt.s32.f32 v34;
	v8 =	vadd.f32 v13, v19;
	v19 =	vmul.f32 v24, v23;
	v35 =	vld [tilespmem:s9+$0xFFFFFFC0]  }
0xdd: {  	v13 =	vtrunc.f32 v26;
	v9 =	vsub.f32 v9, v29;
	v11 =	vmul.f32 v28, v5;
	v24 =	vld.idx.msk [tilespmem:v32+s15+$0x0], $0xffff  }
0xde: {  	v23 =	vmul.f32 v33, v5;
	v13 =	vcvt.f32.s32 v13;
	[tilespmem:s11+$0xFFFFFFD0] =	vst v8;
	v8 =	vadd.f32 v20, v27  }
0xdf: {  	v20 =	vadd.f32 v22, v2;
	v36 =	vmul.f32 v9, v16;
	v26 =	vmul.f32 v21, v5;
	v21 =	vld.idx.msk [tilespmem:v34+s15+$0x0], $0xffff  }
0xe0: {  	v19 =	vadd.f32 v19, v31;
	v16 =	vmul.f32 v25, v5;
	v12 =	vmul.f32 v12, v5;
	v22 =	vld [tilespmem:s9+$0x30];
	[tilespmem:s11+$0xFFFFFFE0] =	vst v8  }
0xe1: {  	v29 =	vmin.f32 v30, v0;
	v8 =	vadd.f32 v23, v2;
	v25 =	vmax.f32 v20, v1;
	v23 =	vld.idx.msk [tilespmem:v34+s13+$0x0], $0xffff  }
0xe2: {  	v27 =	vmul.f32 v35, v5;
	v9 =	vadd.f32 v26, v2;
	v25 =	vmin.f32 v25, v0;
	v31 =	vld [tilespmem:s9+$0xFFFFFFE0];
	[tilespmem:s11+$0x30] =	vst v19;
	s11 =	smov.u32 s10;
	s10 =	smov.u32 s9  }
0xe3: {  	v37 =	vadd.f32 v16, v2;
	v28 =	vmax.f32 v8, v1;
	v16 =	vadd.f32 v12, v2;
	v38 =	vld.idx.msk [tilespmem:v14+s13+$0x0], $0xffff  }
0xe4: {  	v26 =	vcvt.f32.s32 v17;
	v34 =	vtrunc.f32 v29;
	v12 =	vmax.f32 v9, v1  }
.Ltmp3:
0xe5: {  	v17 =	vtrunc.f32 v25;
	v14 =	vmax.f32 v37, v1;
	v12 =	vmin.f32 v12, v0;
	(pc) =	sbr.rel @p0 .LBB2_5-.Ltmp3, $4  }
0xe6: {  	v30 =	vcvt.f32.s32 v17;
	v35 =	vmax.f32 v16, v1;
	v19 =	vmul.f32 v22, v5;
	v25 =	vld.idx.msk [tilespmem:v39+s13+$0x0], $0xffff  }
0xe7: {  	v40 =	vcvt.s32.f32 v26;
	v17 =	vmin.f32 v14, v0;
	v12 =	vtrunc.f32 v12;
	v33 =	vld.idx.msk [tilespmem:v32+s13+$0x0], $0xffff  }
0xe8: {  	v14 =	vcvt.f32.s32 v12;
	v22 =	vmul.f32 v31, v5;
	v12 =	vadd.f32 v19, v2;
	v29 =	vld.idx.msk [tilespmem:v39+s15+$0x0], $0xffff  }
0xe9: {  	s9 =	sadd.s32 $0x80, s9;
	v17 =	vtrunc.f32 v17;
	v31 =	vsub.f32 v4, v40;
	v4 =	vmovc v37;
	v32 =	vadd.f32 v36, v38;
	v19 =	vld.idx.msk [tilespmem:v13+s13+$0x0], $0xffff  }
0xea: {  	_ =	sdelay $0x2  }
0xeb: {  	v5 =	vadd.f32 v27, v2  }
0xec: {  	v27 =	vcvt.f32.s32 v34;
	v55 =	vmin.f32 v35, v0;
	v15 =	vmul.f32 v15, v24;
	v24 =	vld.idx.msk [tilespmem:v13+s15+$0x0], $0xffff  }
0xed: {  	v56 =	vcvt.s32.f32 v30;
	v7 =	vsub.f32 v7, v18;
	v18 =	vld.idx.msk [tilespmem:v30+s13+$0x0], $0xffff;
	v28 =	vmin.f32 v28, v0  }
0xee: {  	v30 =	vld.idx.msk [tilespmem:v30+s15+$0x0], $0xffff;
	v11 =	vadd.f32 v11, v2;
	v13 =	vcvt.s32.f32 v13;
	v17 =	vcvt.f32.s32 v17  }
0xef: {  	v2 =	vadd.f32 v22, v2;
	v34 =	vtrunc.f32 v55;
	v28 =	vtrunc.f32 v28  }
0xf0: {  	v36 =	vld.idx.msk [tilespmem:v26+s15+$0x0], $0xffff;
	v37 =	vmax.f32 v5, v1;
	v34 =	vcvt.f32.s32 v34;
	v15 =	vadd.f32 v15, v33  }
0xf1: {  	v26 =	vld.idx.msk [tilespmem:v26+s13+$0x0], $0xffff;
	v58 =	vcvt.s32.f32 v27;
	v28 =	vcvt.f32.s32 v28;
	v20 =	vsub.f32 v20, v56  }
0xf2: {  	v60 =	vld.idx.msk [tilespmem:v14+s15+$0x0], $0xffff;
	v7 =	vmul.f32 v7, v21;
	v6 =	vsub.f32 v6, v13;
	v37 =	vmin.f32 v37, v0  }
0xf3: {  	v10 =	vmul.f32 v10, v29;
	v29 =	vmax.f32 v11, v1;
	v20 =	vmul.f32 v20, v30;
	v30 =	vld.idx.msk [tilespmem:v14+s13+$0x0], $0xffff  }
0xf4: {  	v37 =	vtrunc.f32 v37;
	v29 =	vmin.f32 v29, v0;
	v6 =	vmul.f32 v6, v24;
	v21 =	vld.idx.msk [tilespmem:v27+s13+$0x0], $0xffff  }
0xf5: {  	v57 =	vcvt.f32.s32 v37;
	v22 =	vtrunc.f32 v29;
	v29 =	vmax.f32 v2, v1;
	v27 =	vld.idx.msk [tilespmem:v27+s15+$0x0], $0xffff  }
0xf6: {  	v7 =	vadd.f32 v7, v23;
	v29 =	vmin.f32 v29, v0;
	v6 =	vadd.f32 v6, v19;
	v19 =	vld.idx.msk [tilespmem:v17+s15+$0x0], $0xffff  }
0xf7: {  	v1 =	vmax.f32 v12, v1;
	v22 =	vcvt.f32.s32 v22;
	v29 =	vtrunc.f32 v29;
	v23 =	vld.idx.msk [tilespmem:v34+s15+$0x0], $0xffff  }
0xf8: {  	v14 =	vcvt.s32.f32 v14;
	v0 =	vmin.f32 v1, v0;
	v1 =	vcvt.f32.s32 v29;
	v29 =	vld.idx.msk [tilespmem:v28+s13+$0x0], $0xffff  }
0xf9: {  	[tilespmem:s11+$0x20] =	vst v15;
	v3 =	vsub.f32 v3, v58;
	v31 =	vmul.f32 v31, v36;
	v15 =	vld.idx.msk [tilespmem:v34+s13+$0x0], $0xffff  }
0xfa: {  	[tilespmem:s11+$0x0] =	vst v32;
	v10 =	vadd.f32 v10, v25;
	v0 =	vtrunc.f32 v0;
	v9 =	vsub.f32 v9, v14;
	v14 =	vld.idx.msk [tilespmem:v28+s15+$0x0], $0xffff  }
0xfb: {  	v59 =	vcvt.s32.f32 v34;
	[tilespmem:s11+$0xFFFFFFC0] =	vst v7;
	v7 =	vadd.f32 v31, v26;
	v0 =	vcvt.f32.s32 v0;
	v25 =	vld.idx.msk [tilespmem:v57+s15+$0x0], $0xffff  }
0xfc: {  	v24 =	vcvt.s32.f32 v28;
	[tilespmem:s11+$0xFFFFFFF0] =	vst v10;
	v13 =	vld.idx.msk [tilespmem:v57+s13+$0x0], $0xffff;
	v3 =	vmul.f32 v3, v27  }
0xfd: {  	v18 =	vadd.f32 v20, v18;
	[tilespmem:s11+$0x10] =	vst v7;
	v7 =	vcvt.s32.f32 v57;
	v9 =	vmul.f32 v9, v60;
	v10 =	vld.idx.msk [tilespmem:v22+s13+$0x0], $0xffff  }
0xfe: {  	v16 =	vsub.f32 v16, v59;
	[tilespmem:s11+$0xFFFFFFD0] =	vst v6;
	v6 =	vcvt.s32.f32 v17;
	v20 =	vld.idx.msk [tilespmem:v22+s15+$0x0], $0xffff;
	v3 =	vadd.f32 v3, v21  }
0xff: {  	[tilespmem:s11+$0xFFFFFFE0] =	vst v18;
	v18 =	vcvt.s32.f32 v1;
	v9 =	vadd.f32 v9, v30;
	v5 =	vsub.f32 v5, v7;
	v7 =	vld.idx.msk [tilespmem:v1+s15+$0x0], $0xffff  }
0x100: {  	v8 =	vsub.f32 v8, v24;
	[tilespmem:s11+$0x30] =	vst v3;
	v3 =	vmul.f32 v16, v23;
	v16 =	vld.idx.msk [tilespmem:v17+s13+$0x0], $0xffff;
	v17 =	vcvt.s32.f32 v22  }
0x101: {  	v4 =	vsub.f32 v4, v6;
	v6 =	vcvt.s32.f32 v0;
	[tilespmem:s10+$0x0] =	vst v9;
	v9 =	vld.idx.msk [tilespmem:v0+s15+$0x0], $0xffff;
	v5 =	vmul.f32 v5, v25  }
0x102: {  	v8 =	vmul.f32 v8, v14;
	v1 =	vld.idx.msk [tilespmem:v1+s13+$0x0], $0xffff;
	v3 =	vadd.f32 v3, v15;
	v11 =	vsub.f32 v11, v17  }
0x103: {  	v2 =	vsub.f32 v2, v18;
	v4 =	vmul.f32 v4, v19;
	v0 =	vld.idx.msk [tilespmem:v0+s13+$0x0], $0xffff;
	v5 =	vadd.f32 v5, v13  }
0x104: {  	v6 =	vsub.f32 v12, v6;
	[tilespmem:s10+$0x20] =	vst v3;
	v3 =	vadd.f32 v8, v29;
	v8 =	vmul.f32 v11, v20  }
0x105: {  	s8 =	sshrl.u32 s8, $0x3;
	v2 =	vmul.f32 v2, v7;
	[tilespmem:s10+$0xFFFFFFC0] =	vst v5;
	v4 =	vadd.f32 v4, v16  }
0x106: {  	s9 =	sshll.u32 s16, $0x7;
	s8 =	smul.u32 $0x18800, s8;
	v5 =	vmul.f32 v6, v9;
	[tilespmem:s10+$0xFFFFFFF0] =	vst v3;
	v3 =	vadd.f32 v8, v10  }
0x107: {  	s9 =	sand.u32 $0x280, s9;
	v1 =	vadd.f32 v2, v1;
	[tilespmem:s10+$0x10] =	vst v4  }
0x108: {  	s8 =	sor.u32 s9, s8;
	v0 =	vadd.f32 v5, v0;
	[tilespmem:s10+$0xFFFFFFD0] =	vst v3  }
0x109: {  	s8 =	sshrl.u32 s8, $0x3;
	[tilespmem:s10+$0xFFFFFFE0] =	vst v1  }
0x10a: {  	p0 =	seq.s32 s3, $0x17;
	s8 =	sadd.s32 s6, s8;
	[tilespmem:s10+$0x30] =	vst v0  }
0x10b: {  	[hbm4b:s8+s17] =	stream.strided.scatter [tilespmem:s19], [sflag:$0x6], $0x3100, s18, s17, $0x38;
	[tilespmem:$0x19000] =	vst v63  }
0x10c: {  	s8 =	sadd.s32 @!p0 $0x4, s0  }
0x10d: {  	s9 =	sadd.s32 @!p0 s5, s8  }
0x10e: {  	s9 =	sshrl.u32 @!p0 s9, $0x3  }
0x10f: {  	s8 =	sshll.u32 @!p0 s8, $0x7;
	s9 =	smul.u32 @!p0 $0x18800, s9  }
0x110: {  	s16 =	sor.u32 $0x2, s0;
	s10 =	simm.s32 @!p0 $0x5;
	s8 =	sand.u32 @!p0 $0x200, s8  }
0x111: {  	s12 =	simm.s32 @!p0 $0x400;
	_ =	swait.ge @!p0 [sflag:s10], $0x3100;
	s8 =	sor.u32 @!p0 s8, s9  }
0x112: {  	[sflag:s10] =	ssyncset.done @!p0 $0x0;
	s9 =	sshrl.u32 @!p0 s8, $0x3;
	s8 =	sadd.s32 s5, s16  }
0x113: {  	s26 =	simm.s32 @!p0 $0x0;
	[sflag:s10] =	ssyncadd.s32 @!p0 $0xFFFFCF00;
	s11 =	sshrl.u32 s8, $0x2  }
0x114: {  	s10 =	simm.s32 @!p0 $0x80;
	s9 =	sadd.s32 @!p0 s1, s9;
	s28 =	smulhi.u32 $0xAAAAAAB, s11  }
0x115: {  	[tilespmem:s26], [sflag:$0x1] =	stream.strided.gather @!p0 [hbm4b:s9+s10], $0x3100, s12, s10, $0x38;
	[tilespmem:$0x19000] =	vst v63  }
0x116: {  	s26 =	sshrl.u32 s28, $0x2  }
0x117: {  	_ =	swait.ge [sflag:s24], $0x3100;
	s9 =	smul.u32 $0x60, s26  }
0x118: {  	[sflag:s24] =	ssyncset.done $0x0  }
0x119: {  	[sflag:s24] =	ssyncadd.s32 $0xFFFFCF00;
	s9 =	ssub.s32 s11, s9;
	s11 =	simm.s32 $0x6240  }
0x11a: {  	v3 =	vld [tilespmem:s11+$0x0]  }
0x11b: {  	v4 =	vld [tilespmem:s11+$0xFFFFFFF0]  }
0x11c: {  	v6 =	vld [tilespmem:s11+$0x10]  }
0x11d: {  	s9 =	sshll.u32 s9, $0x7;
	v7 =	vld [tilespmem:s11+$0x20]  }
0x11e: {  	v5 =	vld [tilespmem:s9+$0xD000]  }
0x11f: {  	v8 =	vld [tilespmem:s11+$0xFFFFFFD0];
	s28 =	sor.u32 $0x10000, s9  }
0x120: {  	v2 =	vld [tilespmem:s28+$0x0]  }
0x121: {  	v9 =	vld [tilespmem:s11+$0xFFFFFFC0]  }
0x122: {  	v1 =	vld [tilespmem:s9+$0x13000]  }
0x123: {  	s10 =	simm.s32 $0x62C0;
	v0 =	vld [tilespmem:s9+$0x16000];
	v3 =	vmul.f32 v3, v5  }
0x124: {  	v26 =	vld [tilespmem:s10+$0xFFFFFFC0]  }
0x125: {  	v8 =	vmul.f32 v8, v5;
	v10 =	vadd.f32 v3, v2;
	v3 =	vmul.f32 v4, v5  }
0x126: {  	v4 =	vmul.f32 v6, v5;
	v6 =	vmul.f32 v7, v5;
	v7 =	vld [tilespmem:s11+$0x30]  }
0x127: {  	v9 =	vmul.f32 v9, v5;
	v11 =	vmax.f32 v10, v1;
	v12 =	vadd.f32 v3, v2  }
0x128: {  	v3 =	vld [tilespmem:s11+$0xFFFFFFE0];
	v31 =	vadd.f32 v4, v2;
	v4 =	vadd.f32 v6, v2;
	v11 =	vmin.f32 v11, v0  }
0x129: {  	v27 =	vmul.f32 v26, v5;
	v6 =	vtrunc.f32 v11  }
0x12a: {  	v11 =	vmax.f32 v31, v1;
	v13 =	vmax.f32 v4, v1;
	v14 =	vcvt.f32.s32 v6  }
0x12b: {  	v6 =	vmax.f32 v12, v1;
	v15 =	vmul.f32 v7, v5;
	v11 =	vmin.f32 v11, v0  }
0x12c: {  	v7 =	vadd.f32 v9, v2;
	v17 =	vtrunc.f32 v11;
	v6 =	vmin.f32 v6, v0  }
0x12d: {  	v9 =	vmul.f32 v3, v5;
	v3 =	vmin.f32 v13, v0;
	v24 =	vcvt.s32.f32 v14  }
0x12e: {  	v16 =	vld [tilespmem:s10+$0xFFFFFFD0];
	v11 =	vmax.f32 v7, v1;
	v26 =	vcvt.f32.s32 v17;
	v3 =	vtrunc.f32 v3  }
0x12f: {  	v25 =	vld [tilespmem:s10+$0x20];
	v19 =	vcvt.f32.s32 v3;
	v3 =	vtrunc.f32 v6;
	v6 =	vmin.f32 v11, v0  }
0x130: {  	v13 =	vld [tilespmem:s10+$0xFFFFFFF0];
	v29 =	vcvt.f32.s32 v3;
	v11 =	vtrunc.f32 v6;
	v6 =	vadd.f32 v8, v2  }
0x131: {  	v20 =	vld [tilespmem:s10+$0x0];
	v3 =	vadd.f32 v15, v2;
	v15 =	vcvt.s32.f32 v19;
	v22 =	vcvt.f32.s32 v11  }
0x132: {  	v39 =	vcvt.s32.f32 v26;
	v8 =	vld.idx.msk [tilespmem:v14+s15+$0x0], $0xffff;
	v23 =	vcvt.s32.f32 v29;
	v11 =	vmax.f32 v6, v1  }
0x133: {  	v21 =	vld [tilespmem:s10+$0x10];
	v15 =	vsub.f32 v4, v15;
	v4 =	vmin.f32 v11, v0;
	v18 =	vcvt.s32.f32 v22  }
0x134: {  	v11 =	vmul.f32 v16, v5;
	v16 =	vsub.f32 v10, v24;
	v4 =	vtrunc.f32 v4  }
0x135: {  	v62 =	vld [tilespmem:s10+$0xFFFFFFE0];
	v10 =	vsub.f32 v12, v23;
	v12 =	vmul.f32 v13, v5;
	v23 =	vmul.f32 v25, v5  }
0x136: {  	v63 =	vld.idx.msk [tilespmem:v14+s13+$0x0], $0xffff;
	v31 =	vsub.f32 v31, v39;
	v13 =	vcvt.f32.s32 v4;
	v4 =	vmul.f32 v20, v5  }
0x137: {  	v25 =	vld [tilespmem:s10+$0x30];
	v20 =	vadd.f32 v9, v2;
	v9 =	vmax.f32 v3, v1;
	v61 =	vmul.f32 v16, v8  }
0x138: {  	v16 =	vmul.f32 v21, v5;
	v8 =	vadd.f32 v12, v2;
	v30 =	vmin.f32 v9, v0  }
0x139: {  	v24 =	vld.idx.msk [tilespmem:v19+s15+$0x0], $0xffff;
	v12 =	vmax.f32 v20, v1;
	v9 =	vadd.f32 v4, v2;
	v34 =	vtrunc.f32 v30  }
0x13a: {  	v21 =	vld.idx.msk [tilespmem:v22+s15+$0x0], $0xffff;
	v12 =	vmin.f32 v12, v0;
	v28 =	vmax.f32 v8, v1;
	v4 =	vadd.f32 v16, v2  }
0x13b: {  	v16 =	vadd.f32 v23, v2;
	v23 =	vld.idx.msk [tilespmem:v22+s13+$0x0], $0xffff;
	v22 =	vmul.f32 v62, v5;
	v32 =	vadd.f32 v61, v63  }
0x13c: {  	v33 =	vld.idx.msk [tilespmem:v19+s13+$0x0], $0xffff;
	v14 =	vmax.f32 v9, v1;
	v12 =	vtrunc.f32 v12;
	v38 =	vmul.f32 v25, v5  }
0x13d: {  	v25 =	vld.idx.msk [tilespmem:v29+s13+$0x0], $0xffff;
	v14 =	vmin.f32 v14, v0;
	v17 =	vmax.f32 v4, v1;
	v35 =	vmax.f32 v16, v1  }
0x13e: {  	v29 =	vld.idx.msk [tilespmem:v29+s15+$0x0], $0xffff;
	v30 =	vcvt.f32.s32 v12;
	v12 =	vtrunc.f32 v14;
	v17 =	vmin.f32 v17, v0  }
0x13f: {  	s12 =	simm.s32 $0x8;
	s9 =	simm.s32 $0x6340;
	v19 =	vld.idx.msk [tilespmem:v13+s13+$0x0], $0xffff;
	v14 =	vcvt.f32.s32 v12;
	v12 =	vadd.f32 v38, v2;
	v17 =	vtrunc.f32 v17  }
.LBB2_7:
0x140: {  	s12 =	sadd.s32 $0x8, s12;
	v35 =	vmin.f32 v35, v0;
	v36 =	vcvt.s32.f32 v30;
	v37 =	vld.idx.msk [tilespmem:v26+s15+$0x0], $0xffff;
	v34 =	vcvt.f32.s32 v34  }
0x141: {  	v28 =	vmin.f32 v28, v0;
	v15 =	vmul.f32 v15, v24;
	p1 =	slt.u32 s12, $0x308;
	v35 =	vtrunc.f32 v35;
	v38 =	vld.idx.msk [tilespmem:v13+s15+$0x0], $0xffff;
	[tilespmem:s11+$0x0] =	vst v32  }
0x142: {  	v24 =	vadd.f32 v27, v2;
	v32 =	vcvt.f32.s32 v35;
	v27 =	vld.idx.msk [tilespmem:v30+s13+$0x0], $0xffff;
	v35 =	vcvt.s32.f32 v34  }
0x143: {  	v18 =	vsub.f32 v7, v18;
	v28 =	vtrunc.f32 v28;
	v15 =	vadd.f32 v15, v33;
	v30 =	vld.idx.msk [tilespmem:v30+s15+$0x0], $0xffff  }
0x144: {  	v39 =	vcvt.f32.s32 v28;
	v20 =	vsub.f32 v20, v36;
	v7 =	vmovc v24;
	v28 =	vcvt.s32.f32 v32;
	v26 =	vld.idx.msk [tilespmem:v26+s13+$0x0], $0xffff  }
0x145: {  	v18 =	vmul.f32 v18, v21;
	v24 =	vmax.f32 v7, v1;
	v21 =	vmul.f32 v10, v29;
	v33 =	vld [tilespmem:s9+$0xFFFFFFF0];
	[tilespmem:s11+$0x20] =	vst v15  }
0x146: {  	v10 =	vmin.f32 v24, v0;
	v24 =	vcvt.s32.f32 v39;
	v29 =	vmul.f32 v31, v37;
	v31 =	vld.idx.msk [tilespmem:v34+s13+$0x0], $0xffff  }
0x147: {  	v13 =	vcvt.s32.f32 v13;
	v15 =	vsub.f32 v16, v28;
	v16 =	vadd.f32 v18, v23;
	v23 =	vld.idx.msk [tilespmem:v34+s15+$0x0], $0xffff  }
0x148: {  	v18 =	vtrunc.f32 v10;
	v10 =	vsub.f32 v8, v24;
	v8 =	vadd.f32 v21, v25;
	v28 =	vld [tilespmem:s9+$0xFFFFFFD0]  }
0x149: {  	v13 =	vsub.f32 v6, v13;
	v6 =	vadd.f32 v11, v2;
	v34 =	vcvt.f32.s32 v18;
	v25 =	vld [tilespmem:s9+$0x10];
	[tilespmem:s11+$0xFFFFFFC0] =	vst v16  }
0x14a: {  	v20 =	vmul.f32 v20, v30;
	v16 =	vld.idx.msk [tilespmem:v14+s15+$0x0], $0xffff;
	[tilespmem:s11+$0xFFFFFFF0] =	vst v8;
	v8 =	vadd.f32 v29, v26  }
0x14b: {  	v11 =	vmax.f32 v6, v1;
	v13 =	vmul.f32 v13, v38;
	v24 =	vsub.f32 v3, v35;
	v3 =	vmovc v12;
	v21 =	vld [tilespmem:s9+$0x0]  }
0x14c: {  	v30 =	vmax.f32 v3, v1;
	v26 =	vmin.f32 v11, v0;
	v29 =	vcvt.s32.f32 v14;
	v12 =	vld [tilespmem:s9+$0x20];
	[tilespmem:s11+$0x10] =	vst v8  }
0x14d: {  	v18 =	vcvt.s32.f32 v34;
	v8 =	vadd.f32 v13, v19;
	v19 =	vmul.f32 v24, v23;
	v35 =	vld [tilespmem:s9+$0xFFFFFFC0]  }
0x14e: {  	v13 =	vtrunc.f32 v26;
	v9 =	vsub.f32 v9, v29;
	v11 =	vmul.f32 v28, v5;
	v24 =	vld.idx.msk [tilespmem:v32+s15+$0x0], $0xffff  }
0x14f: {  	v23 =	vmul.f32 v33, v5;
	v13 =	vcvt.f32.s32 v13;
	[tilespmem:s11+$0xFFFFFFD0] =	vst v8;
	v8 =	vadd.f32 v20, v27  }
0x150: {  	v20 =	vadd.f32 v22, v2;
	v36 =	vmul.f32 v9, v16;
	v26 =	vmul.f32 v21, v5;
	v21 =	vld.idx.msk [tilespmem:v34+s15+$0x0], $0xffff  }
0x151: {  	v19 =	vadd.f32 v19, v31;
	v16 =	vmul.f32 v25, v5;
	v12 =	vmul.f32 v12, v5;
	v22 =	vld [tilespmem:s9+$0x30];
	[tilespmem:s11+$0xFFFFFFE0] =	vst v8  }
0x152: {  	v29 =	vmin.f32 v30, v0;
	v8 =	vadd.f32 v23, v2;
	v25 =	vmax.f32 v20, v1;
	v23 =	vld.idx.msk [tilespmem:v34+s13+$0x0], $0xffff  }
0x153: {  	v27 =	vmul.f32 v35, v5;
	v9 =	vadd.f32 v26, v2;
	v25 =	vmin.f32 v25, v0;
	v31 =	vld [tilespmem:s9+$0xFFFFFFE0];
	[tilespmem:s11+$0x30] =	vst v19;
	s11 =	smov.u32 s10;
	s10 =	smov.u32 s9  }
0x154: {  	v37 =	vadd.f32 v16, v2;
	v28 =	vmax.f32 v8, v1;
	v16 =	vadd.f32 v12, v2;
	v38 =	vld.idx.msk [tilespmem:v14+s13+$0x0], $0xffff  }
0x155: {  	v26 =	vcvt.f32.s32 v17;
	v34 =	vtrunc.f32 v29;
	v12 =	vmax.f32 v9, v1  }
.Ltmp4:
0x156: {  	v17 =	vtrunc.f32 v25;
	v14 =	vmax.f32 v37, v1;
	v12 =	vmin.f32 v12, v0;
	(pc) =	sbr.rel @p1 .LBB2_7-.Ltmp4, $4  }
0x157: {  	v30 =	vcvt.f32.s32 v17;
	v35 =	vmax.f32 v16, v1;
	v19 =	vmul.f32 v22, v5;
	v25 =	vld.idx.msk [tilespmem:v39+s13+$0x0], $0xffff  }
0x158: {  	v40 =	vcvt.s32.f32 v26;
	v17 =	vmin.f32 v14, v0;
	v12 =	vtrunc.f32 v12;
	v33 =	vld.idx.msk [tilespmem:v32+s13+$0x0], $0xffff  }
0x159: {  	v14 =	vcvt.f32.s32 v12;
	v22 =	vmul.f32 v31, v5;
	v12 =	vadd.f32 v19, v2;
	v29 =	vld.idx.msk [tilespmem:v39+s15+$0x0], $0xffff  }
0x15a: {  	s9 =	sadd.s32 $0x80, s9;
	v17 =	vtrunc.f32 v17;
	v31 =	vsub.f32 v4, v40;
	v4 =	vmovc v37;
	v32 =	vadd.f32 v36, v38;
	v19 =	vld.idx.msk [tilespmem:v13+s13+$0x0], $0xffff  }
0x15b: {  	_ =	sdelay $0x2  }
0x15c: {  	v5 =	vadd.f32 v27, v2  }
0x15d: {  	v27 =	vcvt.f32.s32 v34;
	v55 =	vmin.f32 v35, v0;
	v15 =	vmul.f32 v15, v24;
	v24 =	vld.idx.msk [tilespmem:v13+s15+$0x0], $0xffff  }
0x15e: {  	v56 =	vcvt.s32.f32 v30;
	v7 =	vsub.f32 v7, v18;
	v18 =	vld.idx.msk [tilespmem:v30+s13+$0x0], $0xffff;
	v28 =	vmin.f32 v28, v0  }
0x15f: {  	v30 =	vld.idx.msk [tilespmem:v30+s15+$0x0], $0xffff;
	v11 =	vadd.f32 v11, v2;
	v13 =	vcvt.s32.f32 v13;
	v17 =	vcvt.f32.s32 v17  }
0x160: {  	v2 =	vadd.f32 v22, v2;
	v34 =	vtrunc.f32 v55;
	v28 =	vtrunc.f32 v28  }
0x161: {  	v36 =	vld.idx.msk [tilespmem:v26+s15+$0x0], $0xffff;
	v37 =	vmax.f32 v5, v1;
	v34 =	vcvt.f32.s32 v34;
	v15 =	vadd.f32 v15, v33  }
0x162: {  	v26 =	vld.idx.msk [tilespmem:v26+s13+$0x0], $0xffff;
	v58 =	vcvt.s32.f32 v27;
	v28 =	vcvt.f32.s32 v28;
	v20 =	vsub.f32 v20, v56  }
0x163: {  	v60 =	vld.idx.msk [tilespmem:v14+s15+$0x0], $0xffff;
	v7 =	vmul.f32 v7, v21;
	v6 =	vsub.f32 v6, v13;
	v37 =	vmin.f32 v37, v0  }
0x164: {  	v10 =	vmul.f32 v10, v29;
	v29 =	vmax.f32 v11, v1;
	v20 =	vmul.f32 v20, v30;
	v30 =	vld.idx.msk [tilespmem:v14+s13+$0x0], $0xffff  }
0x165: {  	v37 =	vtrunc.f32 v37;
	v29 =	vmin.f32 v29, v0;
	v6 =	vmul.f32 v6, v24;
	v21 =	vld.idx.msk [tilespmem:v27+s13+$0x0], $0xffff  }
0x166: {  	v57 =	vcvt.f32.s32 v37;
	v22 =	vtrunc.f32 v29;
	v29 =	vmax.f32 v2, v1;
	v27 =	vld.idx.msk [tilespmem:v27+s15+$0x0], $0xffff  }
0x167: {  	v7 =	vadd.f32 v7, v23;
	v29 =	vmin.f32 v29, v0;
	v6 =	vadd.f32 v6, v19;
	v19 =	vld.idx.msk [tilespmem:v17+s15+$0x0], $0xffff  }
0x168: {  	v1 =	vmax.f32 v12, v1;
	v22 =	vcvt.f32.s32 v22;
	v29 =	vtrunc.f32 v29;
	v23 =	vld.idx.msk [tilespmem:v34+s15+$0x0], $0xffff  }
0x169: {  	v14 =	vcvt.s32.f32 v14;
	v0 =	vmin.f32 v1, v0;
	v1 =	vcvt.f32.s32 v29;
	v29 =	vld.idx.msk [tilespmem:v28+s13+$0x0], $0xffff  }
0x16a: {  	[tilespmem:s11+$0x20] =	vst v15;
	v3 =	vsub.f32 v3, v58;
	v31 =	vmul.f32 v31, v36;
	v15 =	vld.idx.msk [tilespmem:v34+s13+$0x0], $0xffff  }
0x16b: {  	[tilespmem:s11+$0x0] =	vst v32;
	v10 =	vadd.f32 v10, v25;
	v0 =	vtrunc.f32 v0;
	v9 =	vsub.f32 v9, v14;
	v14 =	vld.idx.msk [tilespmem:v28+s15+$0x0], $0xffff  }
0x16c: {  	v59 =	vcvt.s32.f32 v34;
	[tilespmem:s11+$0xFFFFFFC0] =	vst v7;
	v7 =	vadd.f32 v31, v26;
	v0 =	vcvt.f32.s32 v0;
	v25 =	vld.idx.msk [tilespmem:v57+s15+$0x0], $0xffff  }
0x16d: {  	v24 =	vcvt.s32.f32 v28;
	[tilespmem:s11+$0xFFFFFFF0] =	vst v10;
	v13 =	vld.idx.msk [tilespmem:v57+s13+$0x0], $0xffff;
	v3 =	vmul.f32 v3, v27  }
0x16e: {  	v18 =	vadd.f32 v20, v18;
	[tilespmem:s11+$0x10] =	vst v7;
	v7 =	vcvt.s32.f32 v57;
	v9 =	vmul.f32 v9, v60;
	v10 =	vld.idx.msk [tilespmem:v22+s13+$0x0], $0xffff  }
0x16f: {  	v16 =	vsub.f32 v16, v59;
	[tilespmem:s11+$0xFFFFFFD0] =	vst v6;
	v6 =	vcvt.s32.f32 v17;
	v20 =	vld.idx.msk [tilespmem:v22+s15+$0x0], $0xffff;
	v3 =	vadd.f32 v3, v21  }
0x170: {  	[tilespmem:s11+$0xFFFFFFE0] =	vst v18;
	v18 =	vcvt.s32.f32 v1;
	v9 =	vadd.f32 v9, v30;
	v5 =	vsub.f32 v5, v7;
	v7 =	vld.idx.msk [tilespmem:v1+s15+$0x0], $0xffff  }
0x171: {  	v8 =	vsub.f32 v8, v24;
	[tilespmem:s11+$0x30] =	vst v3;
	v3 =	vmul.f32 v16, v23;
	v16 =	vld.idx.msk [tilespmem:v17+s13+$0x0], $0xffff;
	v17 =	vcvt.s32.f32 v22  }
0x172: {  	v4 =	vsub.f32 v4, v6;
	v6 =	vcvt.s32.f32 v0;
	[tilespmem:s10+$0x0] =	vst v9;
	v9 =	vld.idx.msk [tilespmem:v0+s15+$0x0], $0xffff;
	v5 =	vmul.f32 v5, v25  }
0x173: {  	v8 =	vmul.f32 v8, v14;
	v1 =	vld.idx.msk [tilespmem:v1+s13+$0x0], $0xffff;
	v3 =	vadd.f32 v3, v15;
	v11 =	vsub.f32 v11, v17  }
0x174: {  	v2 =	vsub.f32 v2, v18;
	v4 =	vmul.f32 v4, v19;
	v0 =	vld.idx.msk [tilespmem:v0+s13+$0x0], $0xffff;
	v5 =	vadd.f32 v5, v13  }
0x175: {  	v6 =	vsub.f32 v12, v6;
	[tilespmem:s10+$0x20] =	vst v3;
	v3 =	vadd.f32 v8, v29;
	v8 =	vmul.f32 v11, v20  }
0x176: {  	s8 =	sshrl.u32 s8, $0x3;
	v2 =	vmul.f32 v2, v7;
	[tilespmem:s10+$0xFFFFFFC0] =	vst v5;
	v4 =	vadd.f32 v4, v16  }
0x177: {  	s9 =	sshll.u32 s16, $0x7;
	s8 =	smul.u32 $0x18800, s8;
	v5 =	vmul.f32 v6, v9;
	[tilespmem:s10+$0xFFFFFFF0] =	vst v3;
	v3 =	vadd.f32 v8, v10  }
0x178: {  	s9 =	sand.u32 $0x300, s9;
	v1 =	vadd.f32 v2, v1;
	[tilespmem:s10+$0x10] =	vst v4  }
0x179: {  	s8 =	sor.u32 s9, s8;
	v0 =	vadd.f32 v5, v0;
	[tilespmem:s10+$0xFFFFFFD0] =	vst v3  }
0x17a: {  	s8 =	sshrl.u32 s8, $0x3;
	[tilespmem:s10+$0xFFFFFFE0] =	vst v1  }
0x17b: {  	s8 =	sadd.s32 s6, s8;
	[tilespmem:s10+$0x30] =	vst v0  }
0x17c: {  	[hbm4b:s8+s17] =	stream.strided.scatter [tilespmem:s20], [sflag:$0x7], $0x3100, s18, s17, $0x38;
	[tilespmem:$0x19000] =	vst v63  }
0x17d: {  	s8 =	sadd.s32 @!p0 $0x5, s0  }
0x17e: {  	s4 =	sshrl.u32 s4, $0x2;
	s9 =	sadd.s32 @!p0 s5, s8  }
0x17f: {  	s12 =	smulhi.u32 $0xAAAAAAB, s4;
	s9 =	sshrl.u32 @!p0 s9, $0x3  }
0x180: {  	s10 =	simm.s32 @!p0 $0x6;
	s8 =	sshll.u32 @!p0 s8, $0x7;
	s9 =	smul.u32 @!p0 $0x18800, s9  }
0x181: {  	_ =	swait.ge @!p0 [sflag:s10], $0x3100;
	s8 =	sand.u32 @!p0 $0x280, s8  }
0x182: {  	s26 =	sshrl.u32 s12, $0x2;
	[sflag:s10] =	ssyncset.done @!p0 $0x0;
	s8 =	sor.u32 @!p0 s8, s9  }
0x183: {  	s11 =	simm.s32 @!p0 $0x3100;
	[sflag:s10] =	ssyncadd.s32 @!p0 $0xFFFFCF00;
	s8 =	sshrl.u32 @!p0 s8, $0x3  }
0x184: {  	s10 =	simm.s32 @!p0 $0x400;
	s9 =	simm.s32 @!p0 $0x80;
	s8 =	sadd.s32 @!p0 s1, s8  }
0x185: {  	[tilespmem:s11], [sflag:$0x2] =	stream.strided.gather @!p0 [hbm4b:s8+s9], $0x3100, s10, s9, $0x38;
	[tilespmem:$0x19000] =	vst v63  }
0x186: {  	s8 =	smul.u32 $0x60, s26  }
0x187: {  	_ =	swait.ge [sflag:s25], $0x3100  }
0x188: {  	s4 =	ssub.s32 s4, s8;
	[sflag:s25] =	ssyncset.done $0x0  }
0x189: {  	[sflag:s25] =	ssyncadd.s32 $0xFFFFCF00;
	s4 =	sshll.u32 s4, $0x7  }
0x18a: {  	v5 =	vld [tilespmem:s4+$0xD000]  }
0x18b: {  	s8 =	simm.s32 $0x9340;
	v1 =	vld [tilespmem:s4+$0x13000]  }
0x18c: {  	v3 =	vld [tilespmem:s8+$0x0]  }
0x18d: {  	v4 =	vld [tilespmem:s8+$0xFFFFFFF0]  }
0x18e: {  	v6 =	vld [tilespmem:s8+$0x10]  }
0x18f: {  	s28 =	sor.u32 $0x10000, s4;
	v8 =	vld [tilespmem:s8+$0xFFFFFFD0]  }
0x190: {  	v2 =	vld [tilespmem:s28+$0x0]  }
0x191: {  	v7 =	vld [tilespmem:s8+$0x20]  }
0x192: {  	v9 =	vld [tilespmem:s8+$0xFFFFFFC0]  }
0x193: {  	v0 =	vld [tilespmem:s4+$0x16000];
	s4 =	simm.s32 $0x93C0;
	v3 =	vmul.f32 v3, v5  }
0x194: {  	v26 =	vld [tilespmem:s4+$0xFFFFFFC0]  }
0x195: {  	v8 =	vmul.f32 v8, v5;
	v10 =	vadd.f32 v3, v2;
	v3 =	vmul.f32 v4, v5  }
0x196: {  	v4 =	vmul.f32 v6, v5;
	v6 =	vmul.f32 v7, v5;
	v7 =	vld [tilespmem:s8+$0x30]  }
0x197: {  	v9 =	vmul.f32 v9, v5;
	v11 =	vmax.f32 v10, v1;
	v12 =	vadd.f32 v3, v2  }
0x198: {  	v3 =	vld [tilespmem:s8+$0xFFFFFFE0];
	v31 =	vadd.f32 v4, v2;
	v4 =	vadd.f32 v6, v2;
	v11 =	vmin.f32 v11, v0  }
0x199: {  	v27 =	vmul.f32 v26, v5;
	v6 =	vtrunc.f32 v11  }
0x19a: {  	v11 =	vmax.f32 v31, v1;
	v13 =	vmax.f32 v4, v1;
	v14 =	vcvt.f32.s32 v6  }
0x19b: {  	v6 =	vmax.f32 v12, v1;
	v15 =	vmul.f32 v7, v5;
	v11 =	vmin.f32 v11, v0  }
0x19c: {  	v7 =	vadd.f32 v9, v2;
	v17 =	vtrunc.f32 v11;
	v6 =	vmin.f32 v6, v0  }
0x19d: {  	v9 =	vmul.f32 v3, v5;
	v3 =	vmin.f32 v13, v0;
	v24 =	vcvt.s32.f32 v14  }
0x19e: {  	v16 =	vld [tilespmem:s4+$0xFFFFFFD0];
	v11 =	vmax.f32 v7, v1;
	v26 =	vcvt.f32.s32 v17;
	v3 =	vtrunc.f32 v3  }
0x19f: {  	v25 =	vld [tilespmem:s4+$0x20];
	v19 =	vcvt.f32.s32 v3;
	v3 =	vtrunc.f32 v6;
	v6 =	vmin.f32 v11, v0  }
0x1a0: {  	v13 =	vld [tilespmem:s4+$0xFFFFFFF0];
	v29 =	vcvt.f32.s32 v3;
	v11 =	vtrunc.f32 v6;
	v6 =	vadd.f32 v8, v2  }
0x1a1: {  	v20 =	vld [tilespmem:s4+$0x0];
	v3 =	vadd.f32 v15, v2;
	v15 =	vcvt.s32.f32 v19;
	v22 =	vcvt.f32.s32 v11  }
0x1a2: {  	v39 =	vcvt.s32.f32 v26;
	v8 =	vld.idx.msk [tilespmem:v14+s15+$0x0], $0xffff;
	v23 =	vcvt.s32.f32 v29;
	v11 =	vmax.f32 v6, v1  }
0x1a3: {  	v21 =	vld [tilespmem:s4+$0x10];
	v15 =	vsub.f32 v4, v15;
	v4 =	vmin.f32 v11, v0;
	v18 =	vcvt.s32.f32 v22  }
0x1a4: {  	v11 =	vmul.f32 v16, v5;
	v16 =	vsub.f32 v10, v24;
	v4 =	vtrunc.f32 v4  }
0x1a5: {  	v62 =	vld [tilespmem:s4+$0xFFFFFFE0];
	v10 =	vsub.f32 v12, v23;
	v12 =	vmul.f32 v13, v5;
	v23 =	vmul.f32 v25, v5  }
0x1a6: {  	v63 =	vld.idx.msk [tilespmem:v14+s13+$0x0], $0xffff;
	v31 =	vsub.f32 v31, v39;
	v13 =	vcvt.f32.s32 v4;
	v4 =	vmul.f32 v20, v5  }
0x1a7: {  	v25 =	vld [tilespmem:s4+$0x30];
	v20 =	vadd.f32 v9, v2;
	v9 =	vmax.f32 v3, v1;
	v61 =	vmul.f32 v16, v8  }
0x1a8: {  	v16 =	vmul.f32 v21, v5;
	v8 =	vadd.f32 v12, v2;
	v30 =	vmin.f32 v9, v0  }
0x1a9: {  	v24 =	vld.idx.msk [tilespmem:v19+s15+$0x0], $0xffff;
	v12 =	vmax.f32 v20, v1;
	v9 =	vadd.f32 v4, v2;
	v34 =	vtrunc.f32 v30  }
0x1aa: {  	v21 =	vld.idx.msk [tilespmem:v22+s15+$0x0], $0xffff;
	v12 =	vmin.f32 v12, v0;
	v28 =	vmax.f32 v8, v1;
	v4 =	vadd.f32 v16, v2  }
0x1ab: {  	v16 =	vadd.f32 v23, v2;
	v23 =	vld.idx.msk [tilespmem:v22+s13+$0x0], $0xffff;
	v22 =	vmul.f32 v62, v5;
	v32 =	vadd.f32 v61, v63  }
0x1ac: {  	v33 =	vld.idx.msk [tilespmem:v19+s13+$0x0], $0xffff;
	v14 =	vmax.f32 v9, v1;
	v12 =	vtrunc.f32 v12;
	v38 =	vmul.f32 v25, v5  }
0x1ad: {  	v25 =	vld.idx.msk [tilespmem:v29+s13+$0x0], $0xffff;
	v14 =	vmin.f32 v14, v0;
	v17 =	vmax.f32 v4, v1;
	v35 =	vmax.f32 v16, v1  }
0x1ae: {  	v29 =	vld.idx.msk [tilespmem:v29+s15+$0x0], $0xffff;
	v30 =	vcvt.f32.s32 v12;
	v12 =	vtrunc.f32 v14;
	v17 =	vmin.f32 v17, v0  }
0x1af: {  	s10 =	simm.s32 $0x8;
	s9 =	simm.s32 $0x9440;
	v19 =	vld.idx.msk [tilespmem:v13+s13+$0x0], $0xffff;
	v14 =	vcvt.f32.s32 v12;
	v12 =	vadd.f32 v38, v2;
	v17 =	vtrunc.f32 v17  }
.LBB2_9:
0x1b0: {  	s10 =	sadd.s32 $0x8, s10;
	v35 =	vmin.f32 v35, v0;
	v36 =	vcvt.s32.f32 v30;
	v37 =	vld.idx.msk [tilespmem:v26+s15+$0x0], $0xffff;
	v34 =	vcvt.f32.s32 v34  }
0x1b1: {  	v28 =	vmin.f32 v28, v0;
	v15 =	vmul.f32 v15, v24;
	p1 =	slt.u32 s10, $0x308;
	v35 =	vtrunc.f32 v35;
	v38 =	vld.idx.msk [tilespmem:v13+s15+$0x0], $0xffff;
	[tilespmem:s8+$0x0] =	vst v32  }
0x1b2: {  	v24 =	vadd.f32 v27, v2;
	v32 =	vcvt.f32.s32 v35;
	v27 =	vld.idx.msk [tilespmem:v30+s13+$0x0], $0xffff;
	v35 =	vcvt.s32.f32 v34  }
0x1b3: {  	v18 =	vsub.f32 v7, v18;
	v28 =	vtrunc.f32 v28;
	v15 =	vadd.f32 v15, v33;
	v30 =	vld.idx.msk [tilespmem:v30+s15+$0x0], $0xffff  }
0x1b4: {  	v39 =	vcvt.f32.s32 v28;
	v20 =	vsub.f32 v20, v36;
	v7 =	vmovc v24;
	v28 =	vcvt.s32.f32 v32;
	v26 =	vld.idx.msk [tilespmem:v26+s13+$0x0], $0xffff  }
0x1b5: {  	v18 =	vmul.f32 v18, v21;
	v24 =	vmax.f32 v7, v1;
	v21 =	vmul.f32 v10, v29;
	v33 =	vld [tilespmem:s9+$0xFFFFFFF0];
	[tilespmem:s8+$0x20] =	vst v15  }
0x1b6: {  	v10 =	vmin.f32 v24, v0;
	v24 =	vcvt.s32.f32 v39;
	v29 =	vmul.f32 v31, v37;
	v31 =	vld.idx.msk [tilespmem:v34+s13+$0x0], $0xffff  }
0x1b7: {  	v13 =	vcvt.s32.f32 v13;
	v15 =	vsub.f32 v16, v28;
	v16 =	vadd.f32 v18, v23;
	v23 =	vld.idx.msk [tilespmem:v34+s15+$0x0], $0xffff  }
0x1b8: {  	v18 =	vtrunc.f32 v10;
	v10 =	vsub.f32 v8, v24;
	v8 =	vadd.f32 v21, v25;
	v28 =	vld [tilespmem:s9+$0xFFFFFFD0]  }
0x1b9: {  	v13 =	vsub.f32 v6, v13;
	v6 =	vadd.f32 v11, v2;
	v34 =	vcvt.f32.s32 v18;
	v25 =	vld [tilespmem:s9+$0x10];
	[tilespmem:s8+$0xFFFFFFC0] =	vst v16  }
0x1ba: {  	v20 =	vmul.f32 v20, v30;
	v16 =	vld.idx.msk [tilespmem:v14+s15+$0x0], $0xffff;
	[tilespmem:s8+$0xFFFFFFF0] =	vst v8;
	v8 =	vadd.f32 v29, v26  }
0x1bb: {  	v11 =	vmax.f32 v6, v1;
	v13 =	vmul.f32 v13, v38;
	v24 =	vsub.f32 v3, v35;
	v3 =	vmovc v12;
	v21 =	vld [tilespmem:s9+$0x0]  }
0x1bc: {  	v30 =	vmax.f32 v3, v1;
	v26 =	vmin.f32 v11, v0;
	v29 =	vcvt.s32.f32 v14;
	v12 =	vld [tilespmem:s9+$0x20];
	[tilespmem:s8+$0x10] =	vst v8  }
0x1bd: {  	v18 =	vcvt.s32.f32 v34;
	v8 =	vadd.f32 v13, v19;
	v19 =	vmul.f32 v24, v23;
	v35 =	vld [tilespmem:s9+$0xFFFFFFC0]  }
0x1be: {  	v13 =	vtrunc.f32 v26;
	v9 =	vsub.f32 v9, v29;
	v11 =	vmul.f32 v28, v5;
	v24 =	vld.idx.msk [tilespmem:v32+s15+$0x0], $0xffff  }
0x1bf: {  	v23 =	vmul.f32 v33, v5;
	v13 =	vcvt.f32.s32 v13;
	[tilespmem:s8+$0xFFFFFFD0] =	vst v8;
	v8 =	vadd.f32 v20, v27  }
0x1c0: {  	v20 =	vadd.f32 v22, v2;
	v36 =	vmul.f32 v9, v16;
	v26 =	vmul.f32 v21, v5;
	v21 =	vld.idx.msk [tilespmem:v34+s15+$0x0], $0xffff  }
0x1c1: {  	v19 =	vadd.f32 v19, v31;
	v16 =	vmul.f32 v25, v5;
	v12 =	vmul.f32 v12, v5;
	v22 =	vld [tilespmem:s9+$0x30];
	[tilespmem:s8+$0xFFFFFFE0] =	vst v8  }
0x1c2: {  	v29 =	vmin.f32 v30, v0;
	v8 =	vadd.f32 v23, v2;
	v25 =	vmax.f32 v20, v1;
	v23 =	vld.idx.msk [tilespmem:v34+s13+$0x0], $0xffff  }
0x1c3: {  	v27 =	vmul.f32 v35, v5;
	v9 =	vadd.f32 v26, v2;
	v25 =	vmin.f32 v25, v0;
	v31 =	vld [tilespmem:s9+$0xFFFFFFE0];
	[tilespmem:s8+$0x30] =	vst v19;
	s8 =	smov.u32 s4;
	s4 =	smov.u32 s9  }
0x1c4: {  	v37 =	vadd.f32 v16, v2;
	v28 =	vmax.f32 v8, v1;
	v16 =	vadd.f32 v12, v2;
	v38 =	vld.idx.msk [tilespmem:v14+s13+$0x0], $0xffff  }
0x1c5: {  	v26 =	vcvt.f32.s32 v17;
	v34 =	vtrunc.f32 v29;
	v12 =	vmax.f32 v9, v1  }
.Ltmp5:
0x1c6: {  	v17 =	vtrunc.f32 v25;
	v14 =	vmax.f32 v37, v1;
	v12 =	vmin.f32 v12, v0;
	(pc) =	sbr.rel @p1 .LBB2_9-.Ltmp5, $4  }
0x1c7: {  	v30 =	vcvt.f32.s32 v17;
	v35 =	vmax.f32 v16, v1;
	v19 =	vmul.f32 v22, v5;
	v25 =	vld.idx.msk [tilespmem:v39+s13+$0x0], $0xffff  }
0x1c8: {  	v40 =	vcvt.s32.f32 v26;
	v17 =	vmin.f32 v14, v0;
	v12 =	vtrunc.f32 v12;
	v33 =	vld.idx.msk [tilespmem:v32+s13+$0x0], $0xffff  }
0x1c9: {  	v14 =	vcvt.f32.s32 v12;
	v22 =	vmul.f32 v31, v5;
	v12 =	vadd.f32 v19, v2;
	v29 =	vld.idx.msk [tilespmem:v39+s15+$0x0], $0xffff  }
0x1ca: {  	s9 =	sadd.s32 $0x80, s9;
	v17 =	vtrunc.f32 v17;
	v31 =	vsub.f32 v4, v40;
	v4 =	vmovc v37;
	v32 =	vadd.f32 v36, v38;
	v19 =	vld.idx.msk [tilespmem:v13+s13+$0x0], $0xffff  }
0x1cb: {  	_ =	sdelay $0x2  }
0x1cc: {  	v5 =	vadd.f32 v27, v2;
	v46 =	vcvt.f32.s32 v34  }
0x1cd: {  	v47 =	vmin.f32 v35, v0;
	v48 =	vcvt.s32.f32 v30;
	v36 =	vld.idx.msk [tilespmem:v26+s15+$0x0], $0xffff;
	v15 =	vmul.f32 v15, v24  }
0x1ce: {  	v49 =	vld.idx.msk [tilespmem:v13+s15+$0x0], $0xffff;
	v7 =	vsub.f32 v7, v18;
	v28 =	vmin.f32 v28, v0;
	v11 =	vadd.f32 v11, v2  }
0x1cf: {  	v18 =	vld.idx.msk [tilespmem:v30+s13+$0x0], $0xffff;
	v2 =	vadd.f32 v22, v2;
	v58 =	vcvt.s32.f32 v13;
	v17 =	vcvt.f32.s32 v17  }
0x1d0: {  	v50 =	vld.idx.msk [tilespmem:v30+s15+$0x0], $0xffff;
	v38 =	vmax.f32 v12, v1;
	v40 =	vcvt.s32.f32 v14;
	v34 =	vtrunc.f32 v47  }
0x1d1: {  	v53 =	vld.idx.msk [tilespmem:v26+s13+$0x0], $0xffff;
	v28 =	vtrunc.f32 v28;
	v41 =	vmin.f32 v38, v0;
	v37 =	vmax.f32 v5, v1  }
0x1d2: {  	v57 =	vld.idx.msk [tilespmem:v14+s15+$0x0], $0xffff;
	v34 =	vcvt.f32.s32 v34;
	v15 =	vadd.f32 v15, v33;
	v52 =	vcvt.s32.f32 v46  }
0x1d3: {  	v39 =	vld.idx.msk [tilespmem:v14+s13+$0x0], $0xffff;
	v28 =	vcvt.f32.s32 v28;
	v20 =	vsub.f32 v20, v48;
	v7 =	vmul.f32 v7, v21  }
0x1d4: {  	v56 =	vmax.f32 v11, v1;
	v62 =	vmax.f32 v2, v1;
	v37 =	vmin.f32 v37, v0;
	v54 =	vld.idx.msk [tilespmem:v46+s13+$0x0], $0xffff  }
0x1d5: {  	v6 =	vsub.f32 v6, v58;
	v10 =	vmul.f32 v10, v29;
	v37 =	vtrunc.f32 v37;
	v27 =	vld.idx.msk [tilespmem:v46+s15+$0x0], $0xffff  }
0x1d6: {  	v29 =	vmin.f32 v56, v0;
	v51 =	vcvt.f32.s32 v37;
	v20 =	vmul.f32 v20, v50;
	v50 =	vld.idx.msk [tilespmem:v17+s15+$0x0], $0xffff  }
0x1d7: {  	v9 =	vsub.f32 v9, v40;
	v55 =	vcvt.s32.f32 v34;
	v59 =	vtrunc.f32 v29;
	v56 =	vld.idx.msk [tilespmem:v17+s13+$0x0], $0xffff  }
0x1d8: {  	v29 =	vmin.f32 v62, v0;
	v0 =	vtrunc.f32 v41;
	v22 =	vcvt.f32.s32 v59;
	v60 =	vld.idx.msk [tilespmem:v34+s15+$0x0], $0xffff  }
0x1d9: {  	[tilespmem:s8+$0x0] =	vst v32;
	v7 =	vadd.f32 v7, v23;
	v31 =	vmul.f32 v31, v36;
	v29 =	vtrunc.f32 v29;
	v43 =	vld.idx.msk [tilespmem:v28+s13+$0x0], $0xffff  }
0x1da: {  	[tilespmem:s8+$0x20] =	vst v15;
	v10 =	vadd.f32 v10, v25;
	v6 =	vmul.f32 v6, v49;
	v42 =	vcvt.f32.s32 v29;
	v44 =	vld.idx.msk [tilespmem:v34+s13+$0x0], $0xffff  }
0x1db: {  	v3 =	vsub.f32 v3, v52;
	v0 =	vcvt.f32.s32 v0;
	[tilespmem:s8+$0xFFFFFFC0] =	vst v7;
	v45 =	vadd.f32 v31, v53;
	v46 =	vld.idx.msk [tilespmem:v28+s15+$0x0], $0xffff  }
0x1dc: {  	v47 =	vcvt.s32.f32 v28;
	v9 =	vmul.f32 v9, v57;
	[tilespmem:s8+$0xFFFFFFF0] =	vst v10;
	v6 =	vadd.f32 v6, v19;
	v61 =	vld.idx.msk [tilespmem:v51+s15+$0x0], $0xffff  }
0x1dd: {  	v16 =	vsub.f32 v16, v55;
	v49 =	vcvt.s32.f32 v51;
	v18 =	vadd.f32 v20, v18;
	[tilespmem:s8+$0x10] =	vst v45;
	v63 =	vld.idx.msk [tilespmem:v51+s13+$0x0], $0xffff  }
0x1de: {  	v8 =	vsub.f32 v8, v47;
	[tilespmem:s8+$0xFFFFFFD0] =	vst v6;
	v3 =	vmul.f32 v3, v27;
	v48 =	vld.idx.msk [tilespmem:v22+s13+$0x0], $0xffff;
	v51 =	vcvt.s32.f32 v17  }
0x1df: {  	v9 =	vadd.f32 v9, v39;
	v57 =	vcvt.s32.f32 v22;
	[tilespmem:s8+$0xFFFFFFE0] =	vst v18;
	v5 =	vsub.f32 v5, v49;
	v52 =	vld.idx.msk [tilespmem:v22+s15+$0x0], $0xffff  }
0x1e0: {  	v3 =	vadd.f32 v3, v54;
	v54 =	vld.idx.msk [tilespmem:v42+s15+$0x0], $0xffff;
	v55 =	vmul.f32 v16, v60;
	v4 =	vsub.f32 v4, v51  }
0x1e1: {  	v53 =	vcvt.s32.f32 v42;
	[tilespmem:s4+$0x0] =	vst v9;
	v11 =	vsub.f32 v11, v57;
	v59 =	vld.idx.msk [tilespmem:v0+s15+$0x0], $0xffff;
	v8 =	vmul.f32 v8, v46  }
0x1e2: {  	v58 =	vcvt.s32.f32 v0;
	v1 =	vld.idx.msk [tilespmem:v42+s13+$0x0], $0xffff;
	[tilespmem:s8+$0x30] =	vst v3;
	v3 =	vadd.f32 v55, v44;
	v4 =	vmul.f32 v4, v50  }
0x1e3: {  	v2 =	vsub.f32 v2, v53;
	v0 =	vld.idx.msk [tilespmem:v0+s13+$0x0], $0xffff;
	v60 =	vadd.f32 v8, v43;
	v5 =	vmul.f32 v5, v61  }
0x1e4: {  	v6 =	vsub.f32 v12, v58;
	v61 =	vmul.f32 v11, v52;
	[tilespmem:s4+$0x20] =	vst v3;
	v4 =	vadd.f32 v4, v56  }
0x1e5: {  	[tilespmem:s4+$0xFFFFFFF0] =	vst v60;
	v5 =	vadd.f32 v5, v63;
	v2 =	vmul.f32 v2, v54  }
0x1e6: {  	v62 =	vadd.f32 v61, v48;
	v63 =	vmul.f32 v6, v59;
	[tilespmem:s4+$0x10] =	vst v4  }
.Ltmp6:
0x1e7: {  	[tilespmem:s4+$0xFFFFFFC0] =	vst v5;
	v1 =	vadd.f32 v2, v1;
	(pc) =	sbr.rel @p0 .LBB2_12-.Ltmp6, $4  }
0x1e8: {  	[tilespmem:s4+$0xFFFFFFD0] =	vst v62;
	v0 =	vadd.f32 v63, v0  }
0x1e9: {  	[tilespmem:s4+$0xFFFFFFE0] =	vst v1  }
0x1ea: {  	s2 =	sadd.s32 s6, s2;
	[tilespmem:s4+$0x30] =	vst v0  }
0x1eb: {  	[hbm4b:s2+s17] =	stream.strided.scatter [tilespmem:s22], [sflag:$0x8], $0x3100, s18, s17, $0x38;
	[tilespmem:$0x19000] =	vst v63  }
0x1ec: {  	s0 =	sadd.s32 $0x6, s0  }
0x1ed: {  	s2 =	sadd.s32 s5, s0  }
0x1ee: {  	s2 =	sshrl.u32 s2, $0x3  }
0x1ef: {  	s0 =	sshll.u32 s0, $0x7;
	s2 =	smul.u32 $0x18800, s2  }
.Ltmp7:
0x1f0: {  	s0 =	sand.u32 $0x300, s0;
	(pc) =	sbr.rel .LBB2_2-.Ltmp7, $4  }
0x1f1: {  	_ =	swait.ge [sflag:s29], $0x3100;
	s0 =	sor.u32 s0, s2  }
0x1f2: {  	[sflag:s29] =	ssyncset.done $0x0;
	s0 =	sshrl.u32 s0, $0x3  }
0x1f3: {  	s3 =	sadd.s32 $0x1, s3;
	[sflag:s29] =	ssyncadd.s32 $0xFFFFCF00;
	s0 =	sadd.s32 s1, s0  }
0x1f4: {  	[tilespmem:s20], [sflag:$0x3] =	stream.strided.gather [hbm4b:s0+s17], $0x3100, s18, s17, $0x38;
	[tilespmem:$0x19000] =	vst v63  }
.LBB2_13:
0x1f5: {  	_ =	sfence.sel $0x180000  }
0x1f6: {  	[bflag:$0x0] =	sbarrier.arrive $0xFFFF  }
0x1f7: {  	_ =	strace $0x90000047  }
0x1f8: {  	s0 =	stileid.u32;
	[bflag:$0x2] =	sbarrier.arrive $0xFFFF  }
0x1f9: {  	p0 =	sne.s32 s0, $0x0;
	s0 =	rddreg [dreg:$0x5]  }
0x1fa: {  	s0 =	sadd.s32 @!p0 $0x100000, s0  }
0x1fb: {  	[sflag:s0] =	ssyncadd.tile.s32 @!p0 $0x1;
	_ =	shalt  }
.Lfunc_end2:
_tile_overlayer_lowered:
.L_overlay_start_2:
0x1fc: {  	(tag) =	ssettag $0x2  }
0x1fd: {  	s0 =	rddreg [dreg:$0x0];
	s2 =	stileid.u32  }
0x1fe: {  	s1 =	rddreg [dreg:$0x1];
	p0 =	sne.s32 s2, $0x0  }
0x1ff: {  	s3 =	rddreg [dreg:$0x2];
	[bflag:$0x3] =	sbarrier.arrive $0xFFFF;
	s2 =	simm.s32 @!p0 $0x1C09  }
0x200: {  	[timem:s3], [sflag:s2] =	dma.local @!p0 [hbm:s0], s1  }
0x201: {  	s0 =	simm.s32 @!p0 $0x9  }
0x202: {  	_ =	swait.ge @!p0 [sflag:s0], s1  }
0x203: {  	s1 =	ssub.s32 @!p0 $0x0, s1;
	[sflag:s0] =	ssyncset.done @!p0 $0x0  }
0x204: {  	[sflag:s0] =	ssyncadd.s32 @!p0 s1  }
0x205: {  	[bflag:$0x3] =	sbarrier.arrive $0xFFFF  }
0x206: {  	_ =	shalt  }

</sc_bundles>
